<compile_context>
chip_gen: v7x
topology: tpu7x:2x2x1
jax: 0.10.2.dev20260603
libtpu: 0.0.44.dev20260713+nightly
codegen_flags: <defaults>
</compile_context>

<pallas_src>
import jax
import jax.numpy as jnp
from jax import lax
from jax.experimental import pallas as pl
from jax.experimental.pallas import tpu as pltpu
from jax.experimental.pallas import tpu_sc as plsc

N_NODES = 10000
N_EDGES = 160000
D_IN = 256
D_HID = 32
D_OUT = 256

CHUNK = 128
N_CHUNKS = N_EDGES // CHUNK
N_TILES = 32
BASE_CH = N_CHUNKS // N_TILES
EXTRA = N_CHUNKS - BASE_CH * N_TILES
NBUF = 4
GROUPS = BASE_CH // NBUF
SHARD = N_NODES // 16
ROW_BLK = 2000
GRID = N_NODES // ROW_BLK



def _mm1_body(x_ref, w_ref, o_ref):
    o_ref[...] = lax.dot_general(
        x_ref[...], w_ref[...], (((1,), (1,)), ((), ())),
        preferred_element_type=jnp.float32)


def _mm2_body(q_ref, w_ref, o_ref):
    t = q_ref[0] + q_ref[1]
    o_ref[...] = lax.dot_general(
        t, w_ref[...], (((1,), (1,)), ((), ())),
        preferred_element_type=jnp.float32)


def _mm1(x, w1):
    return pl.pallas_call(
        _mm1_body,
        grid=(GRID,),
        in_specs=[
            pl.BlockSpec((ROW_BLK, D_IN), lambda i: (i, 0)),
            pl.BlockSpec((D_HID, D_IN), lambda i: (0, 0)),
        ],
        out_specs=pl.BlockSpec((ROW_BLK, D_HID), lambda i: (i, 0)),
        out_shape=jax.ShapeDtypeStruct((N_NODES, D_HID), jnp.float32),
    )(x, w1)


def _mm2(q, w2):
    return pl.pallas_call(
        _mm2_body,
        grid=(GRID,),
        in_specs=[
            pl.BlockSpec((2, ROW_BLK, D_HID), lambda i: (0, i, 0)),
            pl.BlockSpec((D_OUT, D_HID), lambda i: (0, 0)),
        ],
        out_specs=pl.BlockSpec((ROW_BLK, D_OUT), lambda i: (i, 0)),
        out_shape=jax.ShapeDtypeStruct((N_NODES, D_OUT), jnp.float32),
    )(q, w2)



def _edge_phase(ei, sidx, didx, rows, sems, ysh, agg, wid):
    pltpu.sync_copy(ei.at[0, pl.ds(wid * BASE_CH, BASE_CH)],
                    sidx.at[pl.ds(0, BASE_CH)])
    pltpu.sync_copy(ei.at[1, pl.ds(wid * BASE_CH, BASE_CH)],
                    didx.at[pl.ds(0, BASE_CH)])

    @pl.when(wid < EXTRA)
    def _():
        base = N_TILES * BASE_CH + wid
        pltpu.sync_copy(ei.at[0, pl.ds(base, 1)], sidx.at[pl.ds(BASE_CH, 1)])
        pltpu.sync_copy(ei.at[1, pl.ds(base, 1)], didx.at[pl.ds(BASE_CH, 1)])

    plsc.subcore_barrier()

    def _group(g, carry):
        handles = []
        for b in range(NBUF):
            j = g * NBUF + b
            handles.append(
                pltpu.async_copy(ysh.at[sidx.at[j]], rows[b], sems[b]))
        for b in range(NBUF):
            j = g * NBUF + b
            handles[b].wait()
            pltpu.sync_copy(rows[b], agg.at[didx.at[j]], add=True)
        return carry
    lax.fori_loop(0, GROUPS, _group, 0)

    for j in range(GROUPS * NBUF, BASE_CH):
        b = j % NBUF
        pltpu.async_copy(ysh.at[sidx.at[j]], rows[b], sems[b]).wait()
        pltpu.sync_copy(rows[b], agg.at[didx.at[j]], add=True)

    @pl.when(wid < EXTRA)
    def _():
        pltpu.async_copy(ysh.at[sidx.at[BASE_CH]], rows[0], sems[0]).wait()
        pltpu.sync_copy(rows[0], agg.at[didx.at[BASE_CH]], add=True)

    plsc.subcore_barrier()


def _sc_layer1_body(y_hbm, zs_hbm, ei, out_hbm,
                    sidx, didx, rows0, rows1, rows2, rows3, buf,
                    ysh, agg, sem0, sem1, sem2, sem3):
    c = lax.axis_index("c")
    s = lax.axis_index("s")
    wid = c * 16 + s
    rows = [rows0, rows1, rows2, rows3]
    sems = [sem0, sem1, sem2, sem3]

    pltpu.sync_copy(y_hbm.at[pl.ds(s * SHARD, SHARD)], buf)
    pltpu.sync_copy(buf, ysh.at[pl.ds(s * SHARD, SHARD)])

    @pl.when(c == 0)
    def _():
        pltpu.sync_copy(buf, agg.at[pl.ds(s * SHARD, SHARD)])

    @pl.when(c == 1)
    def _():
        pltpu.sync_copy(zs_hbm.at[pl.ds(s * SHARD, SHARD)], buf)
        pltpu.sync_copy(buf, agg.at[pl.ds(s * SHARD, SHARD)])

    _edge_phase(ei, sidx, didx, rows, sems, ysh, agg, wid)

    pltpu.sync_copy(agg.at[pl.ds(s * SHARD, SHARD)], buf)
    pltpu.sync_copy(buf, out_hbm.at[c, pl.ds(s * SHARD, SHARD)])


def _sc_layer2_body(p_hbm, zs_hbm, ei, out_hbm,
                    sidx, didx, rows0, rows1, rows2, rows3, bufa, bufb,
                    ysh, agg, sem0, sem1, sem2, sem3):
    c = lax.axis_index("c")
    s = lax.axis_index("s")
    wid = c * 16 + s
    rows = [rows0, rows1, rows2, rows3]
    sems = [sem0, sem1, sem2, sem3]

    pltpu.sync_copy(p_hbm.at[0, pl.ds(s * SHARD, SHARD)], bufa)
    pltpu.sync_copy(p_hbm.at[1, pl.ds(s * SHARD, SHARD)], bufb)

    def _mk_h(i, carry):
        bufa[i, 0:16] = jnp.maximum(bufa[i, 0:16] + bufb[i, 0:16], 0.0)
        bufa[i, 16:32] = jnp.maximum(bufa[i, 16:32] + bufb[i, 16:32], 0.0)
        return carry
    lax.fori_loop(0, SHARD, _mk_h, 0)
    pltpu.sync_copy(bufa, ysh.at[pl.ds(s * SHARD, SHARD)])

    @pl.when(c == 0)
    def _():
        pltpu.sync_copy(bufa, agg.at[pl.ds(s * SHARD, SHARD)])

    @pl.when(c == 1)
    def _():
        pltpu.sync_copy(zs_hbm.at[pl.ds(s * SHARD, SHARD)], bufb)
        pltpu.sync_copy(bufb, agg.at[pl.ds(s * SHARD, SHARD)])

    _edge_phase(ei, sidx, didx, rows, sems, ysh, agg, wid)

    pltpu.sync_copy(agg.at[pl.ds(s * SHARD, SHARD)], bufa)
    pltpu.sync_copy(bufa, out_hbm.at[c, pl.ds(s * SHARD, SHARD)])


_SC_MESH = plsc.VectorSubcoreMesh(core_axis_name="c", subcore_axis_name="s")
_SC_OUT = jax.ShapeDtypeStruct((2, N_NODES, D_HID), jnp.float32)
_COMMON_SCRATCH = [
    pltpu.VMEM((BASE_CH + 1, CHUNK), jnp.int32),
    pltpu.VMEM((BASE_CH + 1, CHUNK), jnp.int32),
    pltpu.VMEM((CHUNK, D_HID), jnp.float32),
    pltpu.VMEM((CHUNK, D_HID), jnp.float32),
    pltpu.VMEM((CHUNK, D_HID), jnp.float32),
    pltpu.VMEM((CHUNK, D_HID), jnp.float32),
]
_SHARED_SCRATCH = [
    pltpu.VMEM_SHARED((N_NODES, D_HID), jnp.float32),
    pltpu.VMEM_SHARED((N_NODES, D_HID), jnp.float32),
]
_SEMS = [pltpu.SemaphoreType.DMA] * 4

_sc_layer1 = pl.kernel(
    _sc_layer1_body,
    out_type=_SC_OUT,
    mesh=_SC_MESH,
    scratch_types=_COMMON_SCRATCH + [
        pltpu.VMEM((SHARD, D_HID), jnp.float32),
    ] + _SHARED_SCRATCH + _SEMS,
    compiler_params=pltpu.CompilerParams(use_tc_tiling_on_sc=False),
)

_sc_layer2 = pl.kernel(
    _sc_layer2_body,
    out_type=_SC_OUT,
    mesh=_SC_MESH,
    scratch_types=_COMMON_SCRATCH + [
        pltpu.VMEM((SHARD, D_HID), jnp.float32),
        pltpu.VMEM((SHARD, D_HID), jnp.float32),
    ] + _SHARED_SCRATCH + _SEMS,
    compiler_params=pltpu.CompilerParams(use_tc_tiling_on_sc=False),
)



@jax.jit
def kernel(x, edge_index, W1, W2):
    ei = edge_index.astype(jnp.int32).reshape(2, N_CHUNKS, CHUNK)
    zs = jnp.zeros((N_NODES, D_HID), jnp.float32)
    y = _mm1(x, W1)
    p = _sc_layer1(y, zs, ei)
    q = _sc_layer2(p, zs, ei)
    return _mm2(q, W2)

# --- scband reference (transcript-rebuilt; emitter-appended) ---
"""Pipeline reference for scband-ginnet-7730941132976 (READ-ONLY COPY).

The authoritative reference and input builder live on the scoring server;
editing this copy changes nothing except your own understanding.
"""

import jax, jax.numpy as jnp
import numpy as np

N_NODES = 10000
N_EDGES = 160000
D_IN = 256
D_HID = 32
D_OUT = 256

def setup_inputs(seed: int = 0) -> dict:
    key = jax.random.key(seed)
    k1, k2, k3, k4 = jax.random.split(key, 4)
    x = jax.random.normal(k1, (N_NODES, D_IN), dtype=jnp.float32)
    edge_index = jax.random.randint(k2, (2, N_EDGES), 0, N_NODES, dtype=jnp.int64)
    # GINConv MLPs are single Linear layers without bias (torch Linear weight: [out, in])
    W1 = jax.random.normal(k3, (D_HID, D_IN), dtype=jnp.float32) * 0.05
    W2 = jax.random.normal(k4, (D_OUT, D_HID), dtype=jnp.float32) * 0.05
    return {"x": x, "edge_index": edge_index, "W1": W1, "W2": W2}

def _gin_conv(x, edge_index, W):
    # GINConv with eps=0 (default, non-trainable): nn((1+eps)*x + sum_{j in N(i)} x_j)
    src = edge_index[0]
    dst = edge_index[1]
    msgs = jnp.take(x, src, axis=0)                     # gather source features
    agg = jnp.zeros_like(x).at[dst].add(msgs)           # scatter-add to destination nodes
    h = agg + x                                          # (1 + eps) * x + aggregated, eps=0
    return h @ W.T                                       # Linear, bias=False

def reference(x, edge_index, W1, W2):
    # Layer 0: conv -> relu -> dropout (eval mode: identity)
    h = _gin_conv(x, edge_index, W1)
    h = jax.nn.relu(h)
    # dropout p=0.5 is a no-op at inference (training=False)
    # Layer 1: final conv, no activation
    out = _gin_conv(h, edge_index, W2)
    return out

if __name__ == "__main__":
    import jax
    _d = setup_inputs()
    print(jax.jit(kernel)(*tuple(_d.values())))

</pallas_src>

<mosaic_0001>
#map = affine_map<(d0, d1) -> (0, 0)>
#map1 = affine_map<(d0, d1) -> (0, 0, 0)>
module attributes {stable_mosaic.version = 14 : i64} {
  func.func @_sc_layer1_body(%arg0: i32, %arg1: i32, %arg2: memref<10000x32xf32, #tpu.memory_space<hbm>>, %arg3: memref<10000x32xf32, #tpu.memory_space<hbm>>, %arg4: memref<2x1250x128xi32, #tpu.memory_space<hbm>>, %arg5: memref<2x10000x32xf32, #tpu.memory_space<hbm>>, %arg6: memref<40x128xi32, #tpu.memory_space<vmem>>, %arg7: memref<40x128xi32, #tpu.memory_space<vmem>>, %arg8: memref<128x32xf32, #tpu.memory_space<vmem>>, %arg9: memref<128x32xf32, #tpu.memory_space<vmem>>, %arg10: memref<128x32xf32, #tpu.memory_space<vmem>>, %arg11: memref<128x32xf32, #tpu.memory_space<vmem>>, %arg12: memref<625x32xf32, #tpu.memory_space<vmem>>, %arg13: memref<10000x32xf32, #tpu.memory_space<vmem_shared>>, %arg14: memref<10000x32xf32, #tpu.memory_space<vmem_shared>>, %arg15: memref<!tpu.dma_semaphore, #tpu.memory_space<semaphore_mem>>, %arg16: memref<!tpu.dma_semaphore, #tpu.memory_space<semaphore_mem>>, %arg17: memref<!tpu.dma_semaphore, #tpu.memory_space<semaphore_mem>>, %arg18: memref<!tpu.dma_semaphore, #tpu.memory_space<semaphore_mem>>) attributes {dimension_semantics = [#tpu.dimension_semantics<core_parallel>, #tpu.dimension_semantics<subcore_parallel>], iteration_bounds = array<i64: 2, 16>, scalar_prefetch = 0 : i64, scratch_operands = 13 : i64, tpu.core_type = #tpu.core_type<sc_vector_subcore>, window_params = [{transform_indices = #map}, {transform_indices = #map}, {transform_indices = #map1}, {transform_indices = #map1}]} {
    %mul3A = arith.constant 16 : i32
    %mul3A_0 = arith.muli %arg0, %mul3A : i32
    %add3A = arith.addi %mul3A_0, %arg1 : i32
    %mul3A_1 = arith.constant 625 : i32
    %mul3A_2 = arith.muli %arg1, %mul3A_1 : i32
    "tpu.region"() ({
      %run_scoped3A_79 = tpu.sem_alloc : memref<!tpu.dma_semaphore, #tpu.memory_space<semaphore_mem>>
      %dma_start3A_80 = arith.constant 0 : i32
      %dma_start3A_81 = tpu.memref_slice %arg2[%mul3A_2, %dma_start3A_80] : memref<10000x32xf32, #tpu.memory_space<hbm>> -> memref<625x32xf32, #tpu.memory_space<hbm>>
      %dma_start3A_82 = arith.constant 0 : i32
      %dma_start3A_83 = tpu.memref_slice %arg2[%mul3A_2, %dma_start3A_82] : memref<10000x32xf32, #tpu.memory_space<hbm>> -> memref<625x32xf32, #tpu.memory_space<hbm>>
      tpu.enqueue_dma source(%dma_start3A_83 : memref<625x32xf32, #tpu.memory_space<hbm>>) target(%arg12 : memref<625x32xf32, #tpu.memory_space<vmem>>) target_semaphore(%run_scoped3A_79 : memref<!tpu.dma_semaphore, #tpu.memory_space<semaphore_mem>>)
      %dma_wait3A_84 = arith.constant 0 : i32
      %dma_wait3A_85 = tpu.memref_slice %arg2[%mul3A_2, %dma_wait3A_84] : memref<10000x32xf32, #tpu.memory_space<hbm>> -> memref<625x32xf32, #tpu.memory_space<hbm>>
      %dma_wait3A_86 = arith.constant 0 : i32
      %dma_wait3A_87 = tpu.memref_slice %arg2[%mul3A_2, %dma_wait3A_86] : memref<10000x32xf32, #tpu.memory_space<hbm>> -> memref<625x32xf32, #tpu.memory_space<hbm>>
      tpu.wait_dma2 semaphore(%run_scoped3A_79 : memref<!tpu.dma_semaphore, #tpu.memory_space<semaphore_mem>>) src(%dma_wait3A_87 : memref<625x32xf32, #tpu.memory_space<hbm>>) dst(%arg12 : memref<625x32xf32, #tpu.memory_space<vmem>>)
      tpu.yield
    }) : () -> ()
    %mul3A_3 = arith.constant 625 : i32
    %mul3A_4 = arith.muli %arg1, %mul3A_3 : i32
    "tpu.region"() ({
      %run_scoped3A_79 = tpu.sem_alloc : memref<!tpu.dma_semaphore, #tpu.memory_space<semaphore_mem>>
      %dma_start3A_80 = arith.constant 0 : i32
      %dma_start3A_81 = tpu.memref_slice %arg13[%mul3A_4, %dma_start3A_80] : memref<10000x32xf32, #tpu.memory_space<vmem_shared>> -> memref<625x32xf32, #tpu.memory_space<vmem_shared>>
      %dma_start3A_82 = arith.constant 0 : i32
      %dma_start3A_83 = tpu.memref_slice %arg13[%mul3A_4, %dma_start3A_82] : memref<10000x32xf32, #tpu.memory_space<vmem_shared>> -> memref<625x32xf32, #tpu.memory_space<vmem_shared>>
      tpu.enqueue_dma source(%arg12 : memref<625x32xf32, #tpu.memory_space<vmem>>) target(%dma_start3A_83 : memref<625x32xf32, #tpu.memory_space<vmem_shared>>) target_semaphore(%run_scoped3A_79 : memref<!tpu.dma_semaphore, #tpu.memory_space<semaphore_mem>>)
      %dma_wait3A_84 = arith.constant 0 : i32
      %dma_wait3A_85 = tpu.memref_slice %arg13[%mul3A_4, %dma_wait3A_84] : memref<10000x32xf32, #tpu.memory_space<vmem_shared>> -> memref<625x32xf32, #tpu.memory_space<vmem_shared>>
      %dma_wait3A_86 = arith.constant 0 : i32
      %dma_wait3A_87 = tpu.memref_slice %arg13[%mul3A_4, %dma_wait3A_86] : memref<10000x32xf32, #tpu.memory_space<vmem_shared>> -> memref<625x32xf32, #tpu.memory_space<vmem_shared>>
      tpu.wait_dma2 semaphore(%run_scoped3A_79 : memref<!tpu.dma_semaphore, #tpu.memory_space<semaphore_mem>>) src(%arg12 : memref<625x32xf32, #tpu.memory_space<vmem>>) dst(%dma_wait3A_87 : memref<625x32xf32, #tpu.memory_space<vmem_shared>>)
      tpu.yield
    }) : () -> ()
    %eq3A = arith.constant 0 : i32
    %eq3A_5 = arith.cmpi eq, %arg0, %eq3A : i32
    %convert_element_type3A = arith.extui %eq3A_5 : i1 to i32
    %cond3A = arith.constant 0 : i32
    %cond3A_6 = arith.cmpi ne, %convert_element_type3A, %cond3A : i32
    scf.if %cond3A_6 {
      %mul3A_79 = arith.constant 625 : i32
      %mul3A_80 = arith.muli %arg1, %mul3A_79 : i32
      "tpu.region"() ({
        %run_scoped3A_81 = tpu.sem_alloc : memref<!tpu.dma_semaphore, #tpu.memory_space<semaphore_mem>>
        %dma_start3A_82 = arith.constant 0 : i32
        %dma_start3A_83 = tpu.memref_slice %arg14[%mul3A_80, %dma_start3A_82] : memref<10000x32xf32, #tpu.memory_space<vmem_shared>> -> memref<625x32xf32, #tpu.memory_space<vmem_shared>>
        %dma_start3A_84 = arith.constant 0 : i32
        %dma_start3A_85 = tpu.memref_slice %arg14[%mul3A_80, %dma_start3A_84] : memref<10000x32xf32, #tpu.memory_space<vmem_shared>> -> memref<625x32xf32, #tpu.memory_space<vmem_shared>>
        tpu.enqueue_dma source(%arg12 : memref<625x32xf32, #tpu.memory_space<vmem>>) target(%dma_start3A_85 : memref<625x32xf32, #tpu.memory_space<vmem_shared>>) target_semaphore(%run_scoped3A_81 : memref<!tpu.dma_semaphore, #tpu.memory_space<semaphore_mem>>)
        %dma_wait3A_86 = arith.constant 0 : i32
        %dma_wait3A_87 = tpu.memref_slice %arg14[%mul3A_80, %dma_wait3A_86] : memref<10000x32xf32, #tpu.memory_space<vmem_shared>> -> memref<625x32xf32, #tpu.memory_space<vmem_shared>>
        %dma_wait3A_88 = arith.constant 0 : i32
        %dma_wait3A_89 = tpu.memref_slice %arg14[%mul3A_80, %dma_wait3A_88] : memref<10000x32xf32, #tpu.memory_space<vmem_shared>> -> memref<625x32xf32, #tpu.memory_space<vmem_shared>>
        tpu.wait_dma2 semaphore(%run_scoped3A_81 : memref<!tpu.dma_semaphore, #tpu.memory_space<semaphore_mem>>) src(%arg12 : memref<625x32xf32, #tpu.memory_space<vmem>>) dst(%dma_wait3A_89 : memref<625x32xf32, #tpu.memory_space<vmem_shared>>)
        tpu.yield
      }) : () -> ()
    } else {
    }
    %eq3A_7 = arith.constant 1 : i32
    %eq3A_8 = arith.cmpi eq, %arg0, %eq3A_7 : i32
    %convert_element_type3A_9 = arith.extui %eq3A_8 : i1 to i32
    %cond3A_10 = arith.constant 0 : i32
    %cond3A_11 = arith.cmpi ne, %convert_element_type3A_9, %cond3A_10 : i32
    scf.if %cond3A_11 {
      %mul3A_79 = arith.constant 625 : i32
      %mul3A_80 = arith.muli %arg1, %mul3A_79 : i32
      "tpu.region"() ({
        %run_scoped3A_83 = tpu.sem_alloc : memref<!tpu.dma_semaphore, #tpu.memory_space<semaphore_mem>>
        %dma_start3A_84 = arith.constant 0 : i32
        %dma_start3A_85 = tpu.memref_slice %arg3[%mul3A_80, %dma_start3A_84] : memref<10000x32xf32, #tpu.memory_space<hbm>> -> memref<625x32xf32, #tpu.memory_space<hbm>>
        %dma_start3A_86 = arith.constant 0 : i32
        %dma_start3A_87 = tpu.memref_slice %arg3[%mul3A_80, %dma_start3A_86] : memref<10000x32xf32, #tpu.memory_space<hbm>> -> memref<625x32xf32, #tpu.memory_space<hbm>>
        tpu.enqueue_dma source(%dma_start3A_87 : memref<625x32xf32, #tpu.memory_space<hbm>>) target(%arg12 : memref<625x32xf32, #tpu.memory_space<vmem>>) target_semaphore(%run_scoped3A_83 : memref<!tpu.dma_semaphore, #tpu.memory_space<semaphore_mem>>)
        %dma_wait3A_88 = arith.constant 0 : i32
        %dma_wait3A_89 = tpu.memref_slice %arg3[%mul3A_80, %dma_wait3A_88] : memref<10000x32xf32, #tpu.memory_space<hbm>> -> memref<625x32xf32, #tpu.memory_space<hbm>>
        %dma_wait3A_90 = arith.constant 0 : i32
        %dma_wait3A_91 = tpu.memref_slice %arg3[%mul3A_80, %dma_wait3A_90] : memref<10000x32xf32, #tpu.memory_space<hbm>> -> memref<625x32xf32, #tpu.memory_space<hbm>>
        tpu.wait_dma2 semaphore(%run_scoped3A_83 : memref<!tpu.dma_semaphore, #tpu.memory_space<semaphore_mem>>) src(%dma_wait3A_91 : memref<625x32xf32, #tpu.memory_space<hbm>>) dst(%arg12 : memref<625x32xf32, #tpu.memory_space<vmem>>)
        tpu.yield
      }) : () -> ()
      %mul3A_81 = arith.constant 625 : i32
      %mul3A_82 = arith.muli %arg1, %mul3A_81 : i32
      "tpu.region"() ({
        %run_scoped3A_83 = tpu.sem_alloc : memref<!tpu.dma_semaphore, #tpu.memory_space<semaphore_mem>>
        %dma_start3A_84 = arith.constant 0 : i32
        %dma_start3A_85 = tpu.memref_slice %arg14[%mul3A_82, %dma_start3A_84] : memref<10000x32xf32, #tpu.memory_space<vmem_shared>> -> memref<625x32xf32, #tpu.memory_space<vmem_shared>>
        %dma_start3A_86 = arith.constant 0 : i32
        %dma_start3A_87 = tpu.memref_slice %arg14[%mul3A_82, %dma_start3A_86] : memref<10000x32xf32, #tpu.memory_space<vmem_shared>> -> memref<625x32xf32, #tpu.memory_space<vmem_shared>>
        tpu.enqueue_dma source(%arg12 : memref<625x32xf32, #tpu.memory_space<vmem>>) target(%dma_start3A_87 : memref<625x32xf32, #tpu.memory_space<vmem_shared>>) target_semaphore(%run_scoped3A_83 : memref<!tpu.dma_semaphore, #tpu.memory_space<semaphore_mem>>)
        %dma_wait3A_88 = arith.constant 0 : i32
        %dma_wait3A_89 = tpu.memref_slice %arg14[%mul3A_82, %dma_wait3A_88] : memref<10000x32xf32, #tpu.memory_space<vmem_shared>> -> memref<625x32xf32, #tpu.memory_space<vmem_shared>>
        %dma_wait3A_90 = arith.constant 0 : i32
        %dma_wait3A_91 = tpu.memref_slice %arg14[%mul3A_82, %dma_wait3A_90] : memref<10000x32xf32, #tpu.memory_space<vmem_shared>> -> memref<625x32xf32, #tpu.memory_space<vmem_shared>>
        tpu.wait_dma2 semaphore(%run_scoped3A_83 : memref<!tpu.dma_semaphore, #tpu.memory_space<semaphore_mem>>) src(%arg12 : memref<625x32xf32, #tpu.memory_space<vmem>>) dst(%dma_wait3A_91 : memref<625x32xf32, #tpu.memory_space<vmem_shared>>)
        tpu.yield
      }) : () -> ()
    } else {
    }
    %mul3A_12 = arith.constant 39 : i32
    %mul3A_13 = arith.muli %add3A, %mul3A_12 : i32
    %run_scoped3A = arith.constant 0 : i32
    "tpu.region"() ({
      %run_scoped3A_79 = tpu.sem_alloc : memref<!tpu.dma_semaphore, #tpu.memory_space<semaphore_mem>>
      %dma_start3A_80 = arith.constant 0 : i32
      %dma_start3A_81 = arith.constant 0 : i32
      %dma_start3A_82 = tpu.memref_slice %arg6[%dma_start3A_80, %dma_start3A_81] : memref<40x128xi32, #tpu.memory_space<vmem>> -> memref<39x128xi32, #tpu.memory_space<vmem>>
      %dma_start3A_83 = arith.constant 0 : i32
      %dma_start3A_84 = tpu.memref_slice %arg4[%run_scoped3A, %mul3A_13, %dma_start3A_83] : memref<2x1250x128xi32, #tpu.memory_space<hbm>> -> memref<1x39x128xi32, #tpu.memory_space<hbm>>
      %dma_start3A_85 = tpu.memref_squeeze %dma_start3A_84 : memref<1x39x128xi32, #tpu.memory_space<hbm>> -> memref<39x128xi32, #tpu.memory_space<hbm>>
      %dma_start3A_86 = arith.constant 0 : i32
      %dma_start3A_87 = arith.constant 0 : i32
      %dma_start3A_88 = tpu.memref_slice %arg6[%dma_start3A_86, %dma_start3A_87] : memref<40x128xi32, #tpu.memory_space<vmem>> -> memref<39x128xi32, #tpu.memory_space<vmem>>
      %dma_start3A_89 = arith.constant 0 : i32
      %dma_start3A_90 = tpu.memref_slice %arg4[%run_scoped3A, %mul3A_13, %dma_start3A_89] : memref<2x1250x128xi32, #tpu.memory_space<hbm>> -> memref<1x39x128xi32, #tpu.memory_space<hbm>>
      %dma_start3A_91 = tpu.memref_squeeze %dma_start3A_90 : memref<1x39x128xi32, #tpu.memory_space<hbm>> -> memref<39x128xi32, #tpu.memory_space<hbm>>
      tpu.enqueue_dma source(%dma_start3A_91 : memref<39x128xi32, #tpu.memory_space<hbm>>) target(%dma_start3A_88 : memref<39x128xi32, #tpu.memory_space<vmem>>) target_semaphore(%run_scoped3A_79 : memref<!tpu.dma_semaphore, #tpu.memory_space<semaphore_mem>>)
      %dma_wait3A_92 = arith.constant 0 : i32
      %dma_wait3A_93 = arith.constant 0 : i32
      %dma_wait3A_94 = tpu.memref_slice %arg6[%dma_wait3A_92, %dma_wait3A_93] : memref<40x128xi32, #tpu.memory_space<vmem>> -> memref<39x128xi32, #tpu.memory_space<vmem>>
      %dma_wait3A_95 = arith.constant 0 : i32
      %dma_wait3A_96 = tpu.memref_slice %arg4[%run_scoped3A, %mul3A_13, %dma_wait3A_95] : memref<2x1250x128xi32, #tpu.memory_space<hbm>> -> memref<1x39x128xi32, #tpu.memory_space<hbm>>
      %dma_wait3A_97 = tpu.memref_squeeze %dma_wait3A_96 : memref<1x39x128xi32, #tpu.memory_space<hbm>> -> memref<39x128xi32, #tpu.memory_space<hbm>>
      %dma_wait3A_98 = arith.constant 0 : i32
      %dma_wait3A_99 = arith.constant 0 : i32
      %dma_wait3A_100 = tpu.memref_slice %arg6[%dma_wait3A_98, %dma_wait3A_99] : memref<40x128xi32, #tpu.memory_space<vmem>> -> memref<39x128xi32, #tpu.memory_space<vmem>>
      %dma_wait3A_101 = arith.constant 0 : i32
      %dma_wait3A_102 = tpu.memref_slice %arg4[%run_scoped3A, %mul3A_13, %dma_wait3A_101] : memref<2x1250x128xi32, #tpu.memory_space<hbm>> -> memref<1x39x128xi32, #tpu.memory_space<hbm>>
      %dma_wait3A_103 = tpu.memref_squeeze %dma_wait3A_102 : memref<1x39x128xi32, #tpu.memory_space<hbm>> -> memref<39x128xi32, #tpu.memory_space<hbm>>
      tpu.wait_dma2 semaphore(%run_scoped3A_79 : memref<!tpu.dma_semaphore, #tpu.memory_space<semaphore_mem>>) src(%dma_wait3A_103 : memref<39x128xi32, #tpu.memory_space<hbm>>) dst(%dma_wait3A_100 : memref<39x128xi32, #tpu.memory_space<vmem>>)
      tpu.yield
    }) : () -> ()
    %mul3A_14 = arith.constant 39 : i32
    %mul3A_15 = arith.muli %add3A, %mul3A_14 : i32
    %run_scoped3A_16 = arith.constant 1 : i32
    "tpu.region"() ({
      %run_scoped3A_79 = tpu.sem_alloc : memref<!tpu.dma_semaphore, #tpu.memory_space<semaphore_mem>>
      %dma_start3A_80 = arith.constant 0 : i32
      %dma_start3A_81 = arith.constant 0 : i32
      %dma_start3A_82 = tpu.memref_slice %arg7[%dma_start3A_80, %dma_start3A_81] : memref<40x128xi32, #tpu.memory_space<vmem>> -> memref<39x128xi32, #tpu.memory_space<vmem>>
      %dma_start3A_83 = arith.constant 0 : i32
      %dma_start3A_84 = tpu.memref_slice %arg4[%run_scoped3A_16, %mul3A_15, %dma_start3A_83] : memref<2x1250x128xi32, #tpu.memory_space<hbm>> -> memref<1x39x128xi32, #tpu.memory_space<hbm>>
      %dma_start3A_85 = tpu.memref_squeeze %dma_start3A_84 : memref<1x39x128xi32, #tpu.memory_space<hbm>> -> memref<39x128xi32, #tpu.memory_space<hbm>>
      %dma_start3A_86 = arith.constant 0 : i32
      %dma_start3A_87 = arith.constant 0 : i32
      %dma_start3A_88 = tpu.memref_slice %arg7[%dma_start3A_86, %dma_start3A_87] : memref<40x128xi32, #tpu.memory_space<vmem>> -> memref<39x128xi32, #tpu.memory_space<vmem>>
      %dma_start3A_89 = arith.constant 0 : i32
      %dma_start3A_90 = tpu.memref_slice %arg4[%run_scoped3A_16, %mul3A_15, %dma_start3A_89] : memref<2x1250x128xi32, #tpu.memory_space<hbm>> -> memref<1x39x128xi32, #tpu.memory_space<hbm>>
      %dma_start3A_91 = tpu.memref_squeeze %dma_start3A_90 : memref<1x39x128xi32, #tpu.memory_space<hbm>> -> memref<39x128xi32, #tpu.memory_space<hbm>>
      tpu.enqueue_dma source(%dma_start3A_91 : memref<39x128xi32, #tpu.memory_space<hbm>>) target(%dma_start3A_88 : memref<39x128xi32, #tpu.memory_space<vmem>>) target_semaphore(%run_scoped3A_79 : memref<!tpu.dma_semaphore, #tpu.memory_space<semaphore_mem>>)
      %dma_wait3A_92 = arith.constant 0 : i32
      %dma_wait3A_93 = arith.constant 0 : i32
      %dma_wait3A_94 = tpu.memref_slice %arg7[%dma_wait3A_92, %dma_wait3A_93] : memref<40x128xi32, #tpu.memory_space<vmem>> -> memref<39x128xi32, #tpu.memory_space<vmem>>
      %dma_wait3A_95 = arith.constant 0 : i32
      %dma_wait3A_96 = tpu.memref_slice %arg4[%run_scoped3A_16, %mul3A_15, %dma_wait3A_95] : memref<2x1250x128xi32, #tpu.memory_space<hbm>> -> memref<1x39x128xi32, #tpu.memory_space<hbm>>
      %dma_wait3A_97 = tpu.memref_squeeze %dma_wait3A_96 : memref<1x39x128xi32, #tpu.memory_space<hbm>> -> memref<39x128xi32, #tpu.memory_space<hbm>>
      %dma_wait3A_98 = arith.constant 0 : i32
      %dma_wait3A_99 = arith.constant 0 : i32
      %dma_wait3A_100 = tpu.memref_slice %arg7[%dma_wait3A_98, %dma_wait3A_99] : memref<40x128xi32, #tpu.memory_space<vmem>> -> memref<39x128xi32, #tpu.memory_space<vmem>>
      %dma_wait3A_101 = arith.constant 0 : i32
      %dma_wait3A_102 = tpu.memref_slice %arg4[%run_scoped3A_16, %mul3A_15, %dma_wait3A_101] : memref<2x1250x128xi32, #tpu.memory_space<hbm>> -> memref<1x39x128xi32, #tpu.memory_space<hbm>>
      %dma_wait3A_103 = tpu.memref_squeeze %dma_wait3A_102 : memref<1x39x128xi32, #tpu.memory_space<hbm>> -> memref<39x128xi32, #tpu.memory_space<hbm>>
      tpu.wait_dma2 semaphore(%run_scoped3A_79 : memref<!tpu.dma_semaphore, #tpu.memory_space<semaphore_mem>>) src(%dma_wait3A_103 : memref<39x128xi32, #tpu.memory_space<hbm>>) dst(%dma_wait3A_100 : memref<39x128xi32, #tpu.memory_space<vmem>>)
      tpu.yield
    }) : () -> ()
    %lt3A = arith.constant 2 : i32
    %lt3A_17 = arith.cmpi slt, %add3A, %lt3A : i32
    %convert_element_type3A_18 = arith.extui %lt3A_17 : i1 to i32
    %cond3A_19 = arith.constant 0 : i32
    %cond3A_20 = arith.cmpi ne, %convert_element_type3A_18, %cond3A_19 : i32
    scf.if %cond3A_20 {
      %add3A_79 = arith.constant 1248 : i32
      %add3A_80 = arith.addi %add3A_79, %add3A : i32
      %run_scoped3A_81 = arith.constant 0 : i32
      "tpu.region"() ({
        %run_scoped3A_83 = tpu.sem_alloc : memref<!tpu.dma_semaphore, #tpu.memory_space<semaphore_mem>>
        %dma_start3A_84 = arith.constant 39 : i32
        %dma_start3A_85 = arith.constant 0 : i32
        %dma_start3A_86 = tpu.memref_slice %arg6[%dma_start3A_84, %dma_start3A_85] : memref<40x128xi32, #tpu.memory_space<vmem>> -> memref<1x128xi32, #tpu.memory_space<vmem>>
        %dma_start3A_87 = arith.constant 0 : i32
        %dma_start3A_88 = tpu.memref_slice %arg4[%run_scoped3A_81, %add3A_80, %dma_start3A_87] : memref<2x1250x128xi32, #tpu.memory_space<hbm>> -> memref<1x1x128xi32, #tpu.memory_space<hbm>>
        %dma_start3A_89 = tpu.memref_squeeze %dma_start3A_88 : memref<1x1x128xi32, #tpu.memory_space<hbm>> -> memref<1x128xi32, #tpu.memory_space<hbm>>
        %dma_start3A_90 = arith.constant 39 : i32
        %dma_start3A_91 = arith.constant 0 : i32
        %dma_start3A_92 = tpu.memref_slice %arg6[%dma_start3A_90, %dma_start3A_91] : memref<40x128xi32, #tpu.memory_space<vmem>> -> memref<1x128xi32, #tpu.memory_space<vmem>>
        %dma_start3A_93 = arith.constant 0 : i32
        %dma_start3A_94 = tpu.memref_slice %arg4[%run_scoped3A_81, %add3A_80, %dma_start3A_93] : memref<2x1250x128xi32, #tpu.memory_space<hbm>> -> memref<1x1x128xi32, #tpu.memory_space<hbm>>
        %dma_start3A_95 = tpu.memref_squeeze %dma_start3A_94 : memref<1x1x128xi32, #tpu.memory_space<hbm>> -> memref<1x128xi32, #tpu.memory_space<hbm>>
        tpu.enqueue_dma source(%dma_start3A_95 : memref<1x128xi32, #tpu.memory_space<hbm>>) target(%dma_start3A_92 : memref<1x128xi32, #tpu.memory_space<vmem>>) target_semaphore(%run_scoped3A_83 : memref<!tpu.dma_semaphore, #tpu.memory_space<semaphore_mem>>)
        %dma_wait3A_96 = arith.constant 39 : i32
        %dma_wait3A_97 = arith.constant 0 : i32
        %dma_wait3A_98 = tpu.memref_slice %arg6[%dma_wait3A_96, %dma_wait3A_97] : memref<40x128xi32, #tpu.memory_space<vmem>> -> memref<1x128xi32, #tpu.memory_space<vmem>>
        %dma_wait3A_99 = arith.constant 0 : i32
        %dma_wait3A_100 = tpu.memref_slice %arg4[%run_scoped3A_81, %add3A_80, %dma_wait3A_99] : memref<2x1250x128xi32, #tpu.memory_space<hbm>> -> memref<1x1x128xi32, #tpu.memory_space<hbm>>
        %dma_wait3A_101 = tpu.memref_squeeze %dma_wait3A_100 : memref<1x1x128xi32, #tpu.memory_space<hbm>> -> memref<1x128xi32, #tpu.memory_space<hbm>>
        %dma_wait3A_102 = arith.constant 39 : i32
        %dma_wait3A_103 = arith.constant 0 : i32
        %dma_wait3A_104 = tpu.memref_slice %arg6[%dma_wait3A_102, %dma_wait3A_103] : memref<40x128xi32, #tpu.memory_space<vmem>> -> memref<1x128xi32, #tpu.memory_space<vmem>>
        %dma_wait3A_105 = arith.constant 0 : i32
        %dma_wait3A_106 = tpu.memref_slice %arg4[%run_scoped3A_81, %add3A_80, %dma_wait3A_105] : memref<2x1250x128xi32, #tpu.memory_space<hbm>> -> memref<1x1x128xi32, #tpu.memory_space<hbm>>
        %dma_wait3A_107 = tpu.memref_squeeze %dma_wait3A_106 : memref<1x1x128xi32, #tpu.memory_space<hbm>> -> memref<1x128xi32, #tpu.memory_space<hbm>>
        tpu.wait_dma2 semaphore(%run_scoped3A_83 : memref<!tpu.dma_semaphore, #tpu.memory_space<semaphore_mem>>) src(%dma_wait3A_107 : memref<1x128xi32, #tpu.memory_space<hbm>>) dst(%dma_wait3A_104 : memref<1x128xi32, #tpu.memory_space<vmem>>)
        tpu.yield
      }) : () -> ()
      %run_scoped3A_82 = arith.constant 1 : i32
      "tpu.region"() ({
        %run_scoped3A_83 = tpu.sem_alloc : memref<!tpu.dma_semaphore, #tpu.memory_space<semaphore_mem>>
        %dma_start3A_84 = arith.constant 39 : i32
        %dma_start3A_85 = arith.constant 0 : i32
        %dma_start3A_86 = tpu.memref_slice %arg7[%dma_start3A_84, %dma_start3A_85] : memref<40x128xi32, #tpu.memory_space<vmem>> -> memref<1x128xi32, #tpu.memory_space<vmem>>
        %dma_start3A_87 = arith.constant 0 : i32
        %dma_start3A_88 = tpu.memref_slice %arg4[%run_scoped3A_82, %add3A_80, %dma_start3A_87] : memref<2x1250x128xi32, #tpu.memory_space<hbm>> -> memref<1x1x128xi32, #tpu.memory_space<hbm>>
        %dma_start3A_89 = tpu.memref_squeeze %dma_start3A_88 : memref<1x1x128xi32, #tpu.memory_space<hbm>> -> memref<1x128xi32, #tpu.memory_space<hbm>>
        %dma_start3A_90 = arith.constant 39 : i32
        %dma_start3A_91 = arith.constant 0 : i32
        %dma_start3A_92 = tpu.memref_slice %arg7[%dma_start3A_90, %dma_start3A_91] : memref<40x128xi32, #tpu.memory_space<vmem>> -> memref<1x128xi32, #tpu.memory_space<vmem>>
        %dma_start3A_93 = arith.constant 0 : i32
        %dma_start3A_94 = tpu.memref_slice %arg4[%run_scoped3A_82, %add3A_80, %dma_start3A_93] : memref<2x1250x128xi32, #tpu.memory_space<hbm>> -> memref<1x1x128xi32, #tpu.memory_space<hbm>>
        %dma_start3A_95 = tpu.memref_squeeze %dma_start3A_94 : memref<1x1x128xi32, #tpu.memory_space<hbm>> -> memref<1x128xi32, #tpu.memory_space<hbm>>
        tpu.enqueue_dma source(%dma_start3A_95 : memref<1x128xi32, #tpu.memory_space<hbm>>) target(%dma_start3A_92 : memref<1x128xi32, #tpu.memory_space<vmem>>) target_semaphore(%run_scoped3A_83 : memref<!tpu.dma_semaphore, #tpu.memory_space<semaphore_mem>>)
        %dma_wait3A_96 = arith.constant 39 : i32
        %dma_wait3A_97 = arith.constant 0 : i32
        %dma_wait3A_98 = tpu.memref_slice %arg7[%dma_wait3A_96, %dma_wait3A_97] : memref<40x128xi32, #tpu.memory_space<vmem>> -> memref<1x128xi32, #tpu.memory_space<vmem>>
        %dma_wait3A_99 = arith.constant 0 : i32
        %dma_wait3A_100 = tpu.memref_slice %arg4[%run_scoped3A_82, %add3A_80, %dma_wait3A_99] : memref<2x1250x128xi32, #tpu.memory_space<hbm>> -> memref<1x1x128xi32, #tpu.memory_space<hbm>>
        %dma_wait3A_101 = tpu.memref_squeeze %dma_wait3A_100 : memref<1x1x128xi32, #tpu.memory_space<hbm>> -> memref<1x128xi32, #tpu.memory_space<hbm>>
        %dma_wait3A_102 = arith.constant 39 : i32
        %dma_wait3A_103 = arith.constant 0 : i32
        %dma_wait3A_104 = tpu.memref_slice %arg7[%dma_wait3A_102, %dma_wait3A_103] : memref<40x128xi32, #tpu.memory_space<vmem>> -> memref<1x128xi32, #tpu.memory_space<vmem>>
        %dma_wait3A_105 = arith.constant 0 : i32
        %dma_wait3A_106 = tpu.memref_slice %arg4[%run_scoped3A_82, %add3A_80, %dma_wait3A_105] : memref<2x1250x128xi32, #tpu.memory_space<hbm>> -> memref<1x1x128xi32, #tpu.memory_space<hbm>>
        %dma_wait3A_107 = tpu.memref_squeeze %dma_wait3A_106 : memref<1x1x128xi32, #tpu.memory_space<hbm>> -> memref<1x128xi32, #tpu.memory_space<hbm>>
        tpu.wait_dma2 semaphore(%run_scoped3A_83 : memref<!tpu.dma_semaphore, #tpu.memory_space<semaphore_mem>>) src(%dma_wait3A_107 : memref<1x128xi32, #tpu.memory_space<hbm>>) dst(%dma_wait3A_104 : memref<1x128xi32, #tpu.memory_space<vmem>>)
        tpu.yield
      }) : () -> ()
    } else {
    }
    %barrier3A = arith.constant 0 : index
    tpu.barrier barrier_id(%barrier3A)
    %scan3A = arith.constant 0 : i32
    %scan3A_21 = arith.constant 0 : i32
    %scan3A_22 = arith.constant 9 : i32
    %scan3A_23 = arith.addi %scan3A_21, %scan3A_22 : i32
    %scan3A_24 = arith.constant 1 : i32
    scf.for %scan3A_79 = %scan3A_21 to %scan3A_23 step %scan3A_24  : i32 {
      %mul3A_80 = arith.constant 4 : i32
      %mul3A_81 = arith.muli %scan3A_79, %mul3A_80 : i32
      %add3A_82 = arith.constant 0 : i32
      %add3A_83 = arith.addi %mul3A_81, %add3A_82 : i32
      %dma_start3A_84 = arith.constant 0 : i32
      %dma_start3A_85 = tpu.memref_slice %arg6[%add3A_83, %dma_start3A_84] : memref<40x128xi32, #tpu.memory_space<vmem>> -> memref<1x128xi32, #tpu.memory_space<vmem>>
      %dma_start3A_86 = tpu.memref_squeeze %dma_start3A_85 : memref<1x128xi32, #tpu.memory_space<vmem>> -> memref<128xi32, #tpu.memory_space<vmem>>
      %dma_start3A_87 = arith.constant 0 : i32
      %dma_start3A_88 = arith.constant 0 : i32
      %dma_start3A_89 = tpu.memref_slice %arg13[%dma_start3A_87, %dma_start3A_88] : memref<10000x32xf32, #tpu.memory_space<vmem_shared>> -> memref<10000x32xf32, #tpu.memory_space<vmem_shared>>
      tpu.enqueue_indirect_dma source(%dma_start3A_89 : memref<10000x32xf32, #tpu.memory_space<vmem_shared>>) target(%arg8 : memref<128x32xf32, #tpu.memory_space<vmem>>) offsets(%dma_start3A_86 : memref<128xi32, #tpu.memory_space<vmem>>) semaphore(%arg15 : memref<!tpu.dma_semaphore, #tpu.memory_space<semaphore_mem>>)
      %mul3A_90 = arith.constant 4 : i32
      %mul3A_91 = arith.muli %scan3A_79, %mul3A_90 : i32
      %add3A_92 = arith.constant 1 : i32
      %add3A_93 = arith.addi %mul3A_91, %add3A_92 : i32
      %dma_start3A_94 = arith.constant 0 : i32
      %dma_start3A_95 = tpu.memref_slice %arg6[%add3A_93, %dma_start3A_94] : memref<40x128xi32, #tpu.memory_space<vmem>> -> memref<1x128xi32, #tpu.memory_space<vmem>>
      %dma_start3A_96 = tpu.memref_squeeze %dma_start3A_95 : memref<1x128xi32, #tpu.memory_space<vmem>> -> memref<128xi32, #tpu.memory_space<vmem>>
      %dma_start3A_97 = arith.constant 0 : i32
      %dma_start3A_98 = arith.constant 0 : i32
      %dma_start3A_99 = tpu.memref_slice %arg13[%dma_start3A_97, %dma_start3A_98] : memref<10000x32xf32, #tpu.memory_space<vmem_shared>> -> memref<10000x32xf32, #tpu.memory_space<vmem_shared>>
      tpu.enqueue_indirect_dma source(%dma_start3A_99 : memref<10000x32xf32, #tpu.memory_space<vmem_shared>>) target(%arg9 : memref<128x32xf32, #tpu.memory_space<vmem>>) offsets(%dma_start3A_96 : memref<128xi32, #tpu.memory_space<vmem>>) semaphore(%arg16 : memref<!tpu.dma_semaphore, #tpu.memory_space<semaphore_mem>>)
      %mul3A_100 = arith.constant 4 : i32
      %mul3A_101 = arith.muli %scan3A_79, %mul3A_100 : i32
      %add3A_102 = arith.constant 2 : i32
      %add3A_103 = arith.addi %mul3A_101, %add3A_102 : i32
      %dma_start3A_104 = arith.constant 0 : i32
      %dma_start3A_105 = tpu.memref_slice %arg6[%add3A_103, %dma_start3A_104] : memref<40x128xi32, #tpu.memory_space<vmem>> -> memref<1x128xi32, #tpu.memory_space<vmem>>
      %dma_start3A_106 = tpu.memref_squeeze %dma_start3A_105 : memref<1x128xi32, #tpu.memory_space<vmem>> -> memref<128xi32, #tpu.memory_space<vmem>>
      %dma_start3A_107 = arith.constant 0 : i32
      %dma_start3A_108 = arith.constant 0 : i32
      %dma_start3A_109 = tpu.memref_slice %arg13[%dma_start3A_107, %dma_start3A_108] : memref<10000x32xf32, #tpu.memory_space<vmem_shared>> -> memref<10000x32xf32, #tpu.memory_space<vmem_shared>>
      tpu.enqueue_indirect_dma source(%dma_start3A_109 : memref<10000x32xf32, #tpu.memory_space<vmem_shared>>) target(%arg10 : memref<128x32xf32, #tpu.memory_space<vmem>>) offsets(%dma_start3A_106 : memref<128xi32, #tpu.memory_space<vmem>>) semaphore(%arg17 : memref<!tpu.dma_semaphore, #tpu.memory_space<semaphore_mem>>)
      %mul3A_110 = arith.constant 4 : i32
      %mul3A_111 = arith.muli %scan3A_79, %mul3A_110 : i32
      %add3A_112 = arith.constant 3 : i32
      %add3A_113 = arith.addi %mul3A_111, %add3A_112 : i32
      %dma_start3A_114 = arith.constant 0 : i32
      %dma_start3A_115 = tpu.memref_slice %arg6[%add3A_113, %dma_start3A_114] : memref<40x128xi32, #tpu.memory_space<vmem>> -> memref<1x128xi32, #tpu.memory_space<vmem>>
      %dma_start3A_116 = tpu.memref_squeeze %dma_start3A_115 : memref<1x128xi32, #tpu.memory_space<vmem>> -> memref<128xi32, #tpu.memory_space<vmem>>
      %dma_start3A_117 = arith.constant 0 : i32
      %dma_start3A_118 = arith.constant 0 : i32
      %dma_start3A_119 = tpu.memref_slice %arg13[%dma_start3A_117, %dma_start3A_118] : memref<10000x32xf32, #tpu.memory_space<vmem_shared>> -> memref<10000x32xf32, #tpu.memory_space<vmem_shared>>
      tpu.enqueue_indirect_dma source(%dma_start3A_119 : memref<10000x32xf32, #tpu.memory_space<vmem_shared>>) target(%arg11 : memref<128x32xf32, #tpu.memory_space<vmem>>) offsets(%dma_start3A_116 : memref<128xi32, #tpu.memory_space<vmem>>) semaphore(%arg18 : memref<!tpu.dma_semaphore, #tpu.memory_space<semaphore_mem>>)
      %mul3A_120 = arith.constant 4 : i32
      %mul3A_121 = arith.muli %scan3A_79, %mul3A_120 : i32
      %add3A_122 = arith.constant 0 : i32
      %add3A_123 = arith.addi %mul3A_121, %add3A_122 : i32
      %dma_wait3A_124 = arith.constant 0 : i32
      %dma_wait3A_125 = tpu.memref_slice %arg6[%add3A_83, %dma_wait3A_124] : memref<40x128xi32, #tpu.memory_space<vmem>> -> memref<1x128xi32, #tpu.memory_space<vmem>>
      %dma_wait3A_126 = tpu.memref_squeeze %dma_wait3A_125 : memref<1x128xi32, #tpu.memory_space<vmem>> -> memref<128xi32, #tpu.memory_space<vmem>>
      %dma_wait3A_127 = arith.constant 0 : i32
      %dma_wait3A_128 = arith.constant 0 : i32
      %dma_wait3A_129 = tpu.memref_slice %arg13[%dma_wait3A_127, %dma_wait3A_128] : memref<10000x32xf32, #tpu.memory_space<vmem_shared>> -> memref<10000x32xf32, #tpu.memory_space<vmem_shared>>
      tpu.wait_indirect_dma semaphore(%arg15 : memref<!tpu.dma_semaphore, #tpu.memory_space<semaphore_mem>>) src(%dma_wait3A_129 : memref<10000x32xf32, #tpu.memory_space<vmem_shared>>) dst(%arg8 : memref<128x32xf32, #tpu.memory_space<vmem>>)
      "tpu.region"() ({
        %run_scoped3A_160 = tpu.sem_alloc : memref<!tpu.dma_semaphore, #tpu.memory_space<semaphore_mem>>
        %dma_start3A_161 = arith.constant 0 : i32
        %dma_start3A_162 = tpu.memref_slice %arg7[%add3A_123, %dma_start3A_161] : memref<40x128xi32, #tpu.memory_space<vmem>> -> memref<1x128xi32, #tpu.memory_space<vmem>>
        %dma_start3A_163 = tpu.memref_squeeze %dma_start3A_162 : memref<1x128xi32, #tpu.memory_space<vmem>> -> memref<128xi32, #tpu.memory_space<vmem>>
        %dma_start3A_164 = arith.constant 0 : i32
        %dma_start3A_165 = arith.constant 0 : i32
        %dma_start3A_166 = tpu.memref_slice %arg14[%dma_start3A_164, %dma_start3A_165] : memref<10000x32xf32, #tpu.memory_space<vmem_shared>> -> memref<10000x32xf32, #tpu.memory_space<vmem_shared>>
        tpu.enqueue_indirect_dma source(%arg8 : memref<128x32xf32, #tpu.memory_space<vmem>>) target(%dma_start3A_166 : memref<10000x32xf32, #tpu.memory_space<vmem_shared>>) offsets(%dma_start3A_163 : memref<128xi32, #tpu.memory_space<vmem>>) semaphore(%run_scoped3A_160 : memref<!tpu.dma_semaphore, #tpu.memory_space<semaphore_mem>>) {add = true}
        %dma_wait3A_167 = arith.constant 0 : i32
        %dma_wait3A_168 = tpu.memref_slice %arg7[%add3A_123, %dma_wait3A_167] : memref<40x128xi32, #tpu.memory_space<vmem>> -> memref<1x128xi32, #tpu.memory_space<vmem>>
        %dma_wait3A_169 = tpu.memref_squeeze %dma_wait3A_168 : memref<1x128xi32, #tpu.memory_space<vmem>> -> memref<128xi32, #tpu.memory_space<vmem>>
        %dma_wait3A_170 = arith.constant 0 : i32
        %dma_wait3A_171 = arith.constant 0 : i32
        %dma_wait3A_172 = tpu.memref_slice %arg14[%dma_wait3A_170, %dma_wait3A_171] : memref<10000x32xf32, #tpu.memory_space<vmem_shared>> -> memref<10000x32xf32, #tpu.memory_space<vmem_shared>>
        tpu.wait_indirect_dma semaphore(%run_scoped3A_160 : memref<!tpu.dma_semaphore, #tpu.memory_space<semaphore_mem>>) src(%arg8 : memref<128x32xf32, #tpu.memory_space<vmem>>) dst(%dma_wait3A_172 : memref<10000x32xf32, #tpu.memory_space<vmem_shared>>)
        tpu.yield
      }) : () -> ()
      %mul3A_130 = arith.constant 4 : i32
      %mul3A_131 = arith.muli %scan3A_79, %mul3A_130 : i32
      %add3A_132 = arith.constant 1 : i32
      %add3A_133 = arith.addi %mul3A_131, %add3A_132 : i32
      %dma_wait3A_134 = arith.constant 0 : i32
      %dma_wait3A_135 = tpu.memref_slice %arg6[%add3A_93, %dma_wait3A_134] : memref<40x128xi32, #tpu.memory_space<vmem>> -> memref<1x128xi32, #tpu.memory_space<vmem>>
      %dma_wait3A_136 = tpu.memref_squeeze %dma_wait3A_135 : memref<1x128xi32, #tpu.memory_space<vmem>> -> memref<128xi32, #tpu.memory_space<vmem>>
      %dma_wait3A_137 = arith.constant 0 : i32
      %dma_wait3A_138 = arith.constant 0 : i32
      %dma_wait3A_139 = tpu.memref_slice %arg13[%dma_wait3A_137, %dma_wait3A_138] : memref<10000x32xf32, #tpu.memory_space<vmem_shared>> -> memref<10000x32xf32, #tpu.memory_space<vmem_shared>>
      tpu.wait_indirect_dma semaphore(%arg16 : memref<!tpu.dma_semaphore, #tpu.memory_space<semaphore_mem>>) src(%dma_wait3A_139 : memref<10000x32xf32, #tpu.memory_space<vmem_shared>>) dst(%arg9 : memref<128x32xf32, #tpu.memory_space<vmem>>)
      "tpu.region"() ({
        %run_scoped3A_160 = tpu.sem_alloc : memref<!tpu.dma_semaphore, #tpu.memory_space<semaphore_mem>>
        %dma_start3A_161 = arith.constant 0 : i32
        %dma_start3A_162 = tpu.memref_slice %arg7[%add3A_133, %dma_start3A_161] : memref<40x128xi32, #tpu.memory_space<vmem>> -> memref<1x128xi32, #tpu.memory_space<vmem>>
        %dma_start3A_163 = tpu.memref_squeeze %dma_start3A_162 : memref<1x128xi32, #tpu.memory_space<vmem>> -> memref<128xi32, #tpu.memory_space<vmem>>
        %dma_start3A_164 = arith.constant 0 : i32
        %dma_start3A_165 = arith.constant 0 : i32
        %dma_start3A_166 = tpu.memref_slice %arg14[%dma_start3A_164, %dma_start3A_165] : memref<10000x32xf32, #tpu.memory_space<vmem_shared>> -> memref<10000x32xf32, #tpu.memory_space<vmem_shared>>
        tpu.enqueue_indirect_dma source(%arg9 : memref<128x32xf32, #tpu.memory_space<vmem>>) target(%dma_start3A_166 : memref<10000x32xf32, #tpu.memory_space<vmem_shared>>) offsets(%dma_start3A_163 : memref<128xi32, #tpu.memory_space<vmem>>) semaphore(%run_scoped3A_160 : memref<!tpu.dma_semaphore, #tpu.memory_space<semaphore_mem>>) {add = true}
        %dma_wait3A_167 = arith.constant 0 : i32
        %dma_wait3A_168 = tpu.memref_slice %arg7[%add3A_133, %dma_wait3A_167] : memref<40x128xi32, #tpu.memory_space<vmem>> -> memref<1x128xi32, #tpu.memory_space<vmem>>
        %dma_wait3A_169 = tpu.memref_squeeze %dma_wait3A_168 : memref<1x128xi32, #tpu.memory_space<vmem>> -> memref<128xi32, #tpu.memory_space<vmem>>
        %dma_wait3A_170 = arith.constant 0 : i32
        %dma_wait3A_171 = arith.constant 0 : i32
        %dma_wait3A_172 = tpu.memref_slice %arg14[%dma_wait3A_170, %dma_wait3A_171] : memref<10000x32xf32, #tpu.memory_space<vmem_shared>> -> memref<10000x32xf32, #tpu.memory_space<vmem_shared>>
        tpu.wait_indirect_dma semaphore(%run_scoped3A_160 : memref<!tpu.dma_semaphore, #tpu.memory_space<semaphore_mem>>) src(%arg9 : memref<128x32xf32, #tpu.memory_space<vmem>>) dst(%dma_wait3A_172 : memref<10000x32xf32, #tpu.memory_space<vmem_shared>>)
        tpu.yield
      }) : () -> ()
      %mul3A_140 = arith.constant 4 : i32
      %mul3A_141 = arith.muli %scan3A_79, %mul3A_140 : i32
      %add3A_142 = arith.constant 2 : i32
      %add3A_143 = arith.addi %mul3A_141, %add3A_142 : i32
      %dma_wait3A_144 = arith.constant 0 : i32
      %dma_wait3A_145 = tpu.memref_slice %arg6[%add3A_103, %dma_wait3A_144] : memref<40x128xi32, #tpu.memory_space<vmem>> -> memref<1x128xi32, #tpu.memory_space<vmem>>
      %dma_wait3A_146 = tpu.memref_squeeze %dma_wait3A_145 : memref<1x128xi32, #tpu.memory_space<vmem>> -> memref<128xi32, #tpu.memory_space<vmem>>
      %dma_wait3A_147 = arith.constant 0 : i32
      %dma_wait3A_148 = arith.constant 0 : i32
      %dma_wait3A_149 = tpu.memref_slice %arg13[%dma_wait3A_147, %dma_wait3A_148] : memref<10000x32xf32, #tpu.memory_space<vmem_shared>> -> memref<10000x32xf32, #tpu.memory_space<vmem_shared>>
      tpu.wait_indirect_dma semaphore(%arg17 : memref<!tpu.dma_semaphore, #tpu.memory_space<semaphore_mem>>) src(%dma_wait3A_149 : memref<10000x32xf32, #tpu.memory_space<vmem_shared>>) dst(%arg10 : memref<128x32xf32, #tpu.memory_space<vmem>>)
      "tpu.region"() ({
        %run_scoped3A_160 = tpu.sem_alloc : memref<!tpu.dma_semaphore, #tpu.memory_space<semaphore_mem>>
        %dma_start3A_161 = arith.constant 0 : i32
        %dma_start3A_162 = tpu.memref_slice %arg7[%add3A_143, %dma_start3A_161] : memref<40x128xi32, #tpu.memory_space<vmem>> -> memref<1x128xi32, #tpu.memory_space<vmem>>
        %dma_start3A_163 = tpu.memref_squeeze %dma_start3A_162 : memref<1x128xi32, #tpu.memory_space<vmem>> -> memref<128xi32, #tpu.memory_space<vmem>>
        %dma_start3A_164 = arith.constant 0 : i32
        %dma_start3A_165 = arith.constant 0 : i32
        %dma_start3A_166 = tpu.memref_slice %arg14[%dma_start3A_164, %dma_start3A_165] : memref<10000x32xf32, #tpu.memory_space<vmem_shared>> -> memref<10000x32xf32, #tpu.memory_space<vmem_shared>>
        tpu.enqueue_indirect_dma source(%arg10 : memref<128x32xf32, #tpu.memory_space<vmem>>) target(%dma_start3A_166 : memref<10000x32xf32, #tpu.memory_space<vmem_shared>>) offsets(%dma_start3A_163 : memref<128xi32, #tpu.memory_space<vmem>>) semaphore(%run_scoped3A_160 : memref<!tpu.dma_semaphore, #tpu.memory_space<semaphore_mem>>) {add = true}
        %dma_wait3A_167 = arith.constant 0 : i32
        %dma_wait3A_168 = tpu.memref_slice %arg7[%add3A_143, %dma_wait3A_167] : memref<40x128xi32, #tpu.memory_space<vmem>> -> memref<1x128xi32, #tpu.memory_space<vmem>>
        %dma_wait3A_169 = tpu.memref_squeeze %dma_wait3A_168 : memref<1x128xi32, #tpu.memory_space<vmem>> -> memref<128xi32, #tpu.memory_space<vmem>>
        %dma_wait3A_170 = arith.constant 0 : i32
        %dma_wait3A_171 = arith.constant 0 : i32
        %dma_wait3A_172 = tpu.memref_slice %arg14[%dma_wait3A_170, %dma_wait3A_171] : memref<10000x32xf32, #tpu.memory_space<vmem_shared>> -> memref<10000x32xf32, #tpu.memory_space<vmem_shared>>
        tpu.wait_indirect_dma semaphore(%run_scoped3A_160 : memref<!tpu.dma_semaphore, #tpu.memory_space<semaphore_mem>>) src(%arg10 : memref<128x32xf32, #tpu.memory_space<vmem>>) dst(%dma_wait3A_172 : memref<10000x32xf32, #tpu.memory_space<vmem_shared>>)
        tpu.yield
      }) : () -> ()
      %mul3A_150 = arith.constant 4 : i32
      %mul3A_151 = arith.muli %scan3A_79, %mul3A_150 : i32
      %add3A_152 = arith.constant 3 : i32
      %add3A_153 = arith.addi %mul3A_151, %add3A_152 : i32
      %dma_wait3A_154 = arith.constant 0 : i32
      %dma_wait3A_155 = tpu.memref_slice %arg6[%add3A_113, %dma_wait3A_154] : memref<40x128xi32, #tpu.memory_space<vmem>> -> memref<1x128xi32, #tpu.memory_space<vmem>>
      %dma_wait3A_156 = tpu.memref_squeeze %dma_wait3A_155 : memref<1x128xi32, #tpu.memory_space<vmem>> -> memref<128xi32, #tpu.memory_space<vmem>>
      %dma_wait3A_157 = arith.constant 0 : i32
      %dma_wait3A_158 = arith.constant 0 : i32
      %dma_wait3A_159 = tpu.memref_slice %arg13[%dma_wait3A_157, %dma_wait3A_158] : memref<10000x32xf32, #tpu.memory_space<vmem_shared>> -> memref<10000x32xf32, #tpu.memory_space<vmem_shared>>
      tpu.wait_indirect_dma semaphore(%arg18 : memref<!tpu.dma_semaphore, #tpu.memory_space<semaphore_mem>>) src(%dma_wait3A_159 : memref<10000x32xf32, #tpu.memory_space<vmem_shared>>) dst(%arg11 : memref<128x32xf32, #tpu.memory_space<vmem>>)
      "tpu.region"() ({
        %run_scoped3A_160 = tpu.sem_alloc : memref<!tpu.dma_semaphore, #tpu.memory_space<semaphore_mem>>
        %dma_start3A_161 = arith.constant 0 : i32
        %dma_start3A_162 = tpu.memref_slice %arg7[%add3A_153, %dma_start3A_161] : memref<40x128xi32, #tpu.memory_space<vmem>> -> memref<1x128xi32, #tpu.memory_space<vmem>>
        %dma_start3A_163 = tpu.memref_squeeze %dma_start3A_162 : memref<1x128xi32, #tpu.memory_space<vmem>> -> memref<128xi32, #tpu.memory_space<vmem>>
        %dma_start3A_164 = arith.constant 0 : i32
        %dma_start3A_165 = arith.constant 0 : i32
        %dma_start3A_166 = tpu.memref_slice %arg14[%dma_start3A_164, %dma_start3A_165] : memref<10000x32xf32, #tpu.memory_space<vmem_shared>> -> memref<10000x32xf32, #tpu.memory_space<vmem_shared>>
        tpu.enqueue_indirect_dma source(%arg11 : memref<128x32xf32, #tpu.memory_space<vmem>>) target(%dma_start3A_166 : memref<10000x32xf32, #tpu.memory_space<vmem_shared>>) offsets(%dma_start3A_163 : memref<128xi32, #tpu.memory_space<vmem>>) semaphore(%run_scoped3A_160 : memref<!tpu.dma_semaphore, #tpu.memory_space<semaphore_mem>>) {add = true}
        %dma_wait3A_167 = arith.constant 0 : i32
        %dma_wait3A_168 = tpu.memref_slice %arg7[%add3A_153, %dma_wait3A_167] : memref<40x128xi32, #tpu.memory_space<vmem>> -> memref<1x128xi32, #tpu.memory_space<vmem>>
        %dma_wait3A_169 = tpu.memref_squeeze %dma_wait3A_168 : memref<1x128xi32, #tpu.memory_space<vmem>> -> memref<128xi32, #tpu.memory_space<vmem>>
        %dma_wait3A_170 = arith.constant 0 : i32
        %dma_wait3A_171 = arith.constant 0 : i32
        %dma_wait3A_172 = tpu.memref_slice %arg14[%dma_wait3A_170, %dma_wait3A_171] : memref<10000x32xf32, #tpu.memory_space<vmem_shared>> -> memref<10000x32xf32, #tpu.memory_space<vmem_shared>>
        tpu.wait_indirect_dma semaphore(%run_scoped3A_160 : memref<!tpu.dma_semaphore, #tpu.memory_space<semaphore_mem>>) src(%arg11 : memref<128x32xf32, #tpu.memory_space<vmem>>) dst(%dma_wait3A_172 : memref<10000x32xf32, #tpu.memory_space<vmem_shared>>)
        tpu.yield
      }) : () -> ()
    }
    %scan3A_25 = arith.constant 9 : i32
    %dma_start3A = arith.constant 36 : i32
    %dma_start3A_26 = arith.constant 0 : i32
    %dma_start3A_27 = tpu.memref_slice %arg6[%dma_start3A, %dma_start3A_26] : memref<40x128xi32, #tpu.memory_space<vmem>> -> memref<1x128xi32, #tpu.memory_space<vmem>>
    %dma_start3A_28 = tpu.memref_squeeze %dma_start3A_27 : memref<1x128xi32, #tpu.memory_space<vmem>> -> memref<128xi32, #tpu.memory_space<vmem>>
    %dma_start3A_29 = arith.constant 0 : i32
    %dma_start3A_30 = arith.constant 0 : i32
    %dma_start3A_31 = tpu.memref_slice %arg13[%dma_start3A_29, %dma_start3A_30] : memref<10000x32xf32, #tpu.memory_space<vmem_shared>> -> memref<10000x32xf32, #tpu.memory_space<vmem_shared>>
    tpu.enqueue_indirect_dma source(%dma_start3A_31 : memref<10000x32xf32, #tpu.memory_space<vmem_shared>>) target(%arg8 : memref<128x32xf32, #tpu.memory_space<vmem>>) offsets(%dma_start3A_28 : memref<128xi32, #tpu.memory_space<vmem>>) semaphore(%arg15 : memref<!tpu.dma_semaphore, #tpu.memory_space<semaphore_mem>>)
    %dma_wait3A = arith.constant 36 : i32
    %dma_wait3A_32 = arith.constant 0 : i32
    %dma_wait3A_33 = tpu.memref_slice %arg6[%dma_wait3A, %dma_wait3A_32] : memref<40x128xi32, #tpu.memory_space<vmem>> -> memref<1x128xi32, #tpu.memory_space<vmem>>
    %dma_wait3A_34 = tpu.memref_squeeze %dma_wait3A_33 : memref<1x128xi32, #tpu.memory_space<vmem>> -> memref<128xi32, #tpu.memory_space<vmem>>
    %dma_wait3A_35 = arith.constant 0 : i32
    %dma_wait3A_36 = arith.constant 0 : i32
    %dma_wait3A_37 = tpu.memref_slice %arg13[%dma_wait3A_35, %dma_wait3A_36] : memref<10000x32xf32, #tpu.memory_space<vmem_shared>> -> memref<10000x32xf32, #tpu.memory_space<vmem_shared>>
    tpu.wait_indirect_dma semaphore(%arg15 : memref<!tpu.dma_semaphore, #tpu.memory_space<semaphore_mem>>) src(%dma_wait3A_37 : memref<10000x32xf32, #tpu.memory_space<vmem_shared>>) dst(%arg8 : memref<128x32xf32, #tpu.memory_space<vmem>>)
    %run_scoped3A_38 = arith.constant 36 : i32
    "tpu.region"() ({
      %run_scoped3A_79 = tpu.sem_alloc : memref<!tpu.dma_semaphore, #tpu.memory_space<semaphore_mem>>
      %dma_start3A_80 = arith.constant 0 : i32
      %dma_start3A_81 = tpu.memref_slice %arg7[%run_scoped3A_38, %dma_start3A_80] : memref<40x128xi32, #tpu.memory_space<vmem>> -> memref<1x128xi32, #tpu.memory_space<vmem>>
      %dma_start3A_82 = tpu.memref_squeeze %dma_start3A_81 : memref<1x128xi32, #tpu.memory_space<vmem>> -> memref<128xi32, #tpu.memory_space<vmem>>
      %dma_start3A_83 = arith.constant 0 : i32
      %dma_start3A_84 = arith.constant 0 : i32
      %dma_start3A_85 = tpu.memref_slice %arg14[%dma_start3A_83, %dma_start3A_84] : memref<10000x32xf32, #tpu.memory_space<vmem_shared>> -> memref<10000x32xf32, #tpu.memory_space<vmem_shared>>
      tpu.enqueue_indirect_dma source(%arg8 : memref<128x32xf32, #tpu.memory_space<vmem>>) target(%dma_start3A_85 : memref<10000x32xf32, #tpu.memory_space<vmem_shared>>) offsets(%dma_start3A_82 : memref<128xi32, #tpu.memory_space<vmem>>) semaphore(%run_scoped3A_79 : memref<!tpu.dma_semaphore, #tpu.memory_space<semaphore_mem>>) {add = true}
      %dma_wait3A_86 = arith.constant 0 : i32
      %dma_wait3A_87 = tpu.memref_slice %arg7[%run_scoped3A_38, %dma_wait3A_86] : memref<40x128xi32, #tpu.memory_space<vmem>> -> memref<1x128xi32, #tpu.memory_space<vmem>>
      %dma_wait3A_88 = tpu.memref_squeeze %dma_wait3A_87 : memref<1x128xi32, #tpu.memory_space<vmem>> -> memref<128xi32, #tpu.memory_space<vmem>>
      %dma_wait3A_89 = arith.constant 0 : i32
      %dma_wait3A_90 = arith.constant 0 : i32
      %dma_wait3A_91 = tpu.memref_slice %arg14[%dma_wait3A_89, %dma_wait3A_90] : memref<10000x32xf32, #tpu.memory_space<vmem_shared>> -> memref<10000x32xf32, #tpu.memory_space<vmem_shared>>
      tpu.wait_indirect_dma semaphore(%run_scoped3A_79 : memref<!tpu.dma_semaphore, #tpu.memory_space<semaphore_mem>>) src(%arg8 : memref<128x32xf32, #tpu.memory_space<vmem>>) dst(%dma_wait3A_91 : memref<10000x32xf32, #tpu.memory_space<vmem_shared>>)
      tpu.yield
    }) : () -> ()
    %dma_start3A_39 = arith.constant 37 : i32
    %dma_start3A_40 = arith.constant 0 : i32
    %dma_start3A_41 = tpu.memref_slice %arg6[%dma_start3A_39, %dma_start3A_40] : memref<40x128xi32, #tpu.memory_space<vmem>> -> memref<1x128xi32, #tpu.memory_space<vmem>>
    %dma_start3A_42 = tpu.memref_squeeze %dma_start3A_41 : memref<1x128xi32, #tpu.memory_space<vmem>> -> memref<128xi32, #tpu.memory_space<vmem>>
    %dma_start3A_43 = arith.constant 0 : i32
    %dma_start3A_44 = arith.constant 0 : i32
    %dma_start3A_45 = tpu.memref_slice %arg13[%dma_start3A_43, %dma_start3A_44] : memref<10000x32xf32, #tpu.memory_space<vmem_shared>> -> memref<10000x32xf32, #tpu.memory_space<vmem_shared>>
    tpu.enqueue_indirect_dma source(%dma_start3A_45 : memref<10000x32xf32, #tpu.memory_space<vmem_shared>>) target(%arg9 : memref<128x32xf32, #tpu.memory_space<vmem>>) offsets(%dma_start3A_42 : memref<128xi32, #tpu.memory_space<vmem>>) semaphore(%arg16 : memref<!tpu.dma_semaphore, #tpu.memory_space<semaphore_mem>>)
    %dma_wait3A_46 = arith.constant 37 : i32
    %dma_wait3A_47 = arith.constant 0 : i32
    %dma_wait3A_48 = tpu.memref_slice %arg6[%dma_wait3A_46, %dma_wait3A_47] : memref<40x128xi32, #tpu.memory_space<vmem>> -> memref<1x128xi32, #tpu.memory_space<vmem>>
    %dma_wait3A_49 = tpu.memref_squeeze %dma_wait3A_48 : memref<1x128xi32, #tpu.memory_space<vmem>> -> memref<128xi32, #tpu.memory_space<vmem>>
    %dma_wait3A_50 = arith.constant 0 : i32
    %dma_wait3A_51 = arith.constant 0 : i32
    %dma_wait3A_52 = tpu.memref_slice %arg13[%dma_wait3A_50, %dma_wait3A_51] : memref<10000x32xf32, #tpu.memory_space<vmem_shared>> -> memref<10000x32xf32, #tpu.memory_space<vmem_shared>>
    tpu.wait_indirect_dma semaphore(%arg16 : memref<!tpu.dma_semaphore, #tpu.memory_space<semaphore_mem>>) src(%dma_wait3A_52 : memref<10000x32xf32, #tpu.memory_space<vmem_shared>>) dst(%arg9 : memref<128x32xf32, #tpu.memory_space<vmem>>)
    %run_scoped3A_53 = arith.constant 37 : i32
    "tpu.region"() ({
      %run_scoped3A_79 = tpu.sem_alloc : memref<!tpu.dma_semaphore, #tpu.memory_space<semaphore_mem>>
      %dma_start3A_80 = arith.constant 0 : i32
      %dma_start3A_81 = tpu.memref_slice %arg7[%run_scoped3A_53, %dma_start3A_80] : memref<40x128xi32, #tpu.memory_space<vmem>> -> memref<1x128xi32, #tpu.memory_space<vmem>>
      %dma_start3A_82 = tpu.memref_squeeze %dma_start3A_81 : memref<1x128xi32, #tpu.memory_space<vmem>> -> memref<128xi32, #tpu.memory_space<vmem>>
      %dma_start3A_83 = arith.constant 0 : i32
      %dma_start3A_84 = arith.constant 0 : i32
      %dma_start3A_85 = tpu.memref_slice %arg14[%dma_start3A_83, %dma_start3A_84] : memref<10000x32xf32, #tpu.memory_space<vmem_shared>> -> memref<10000x32xf32, #tpu.memory_space<vmem_shared>>
      tpu.enqueue_indirect_dma source(%arg9 : memref<128x32xf32, #tpu.memory_space<vmem>>) target(%dma_start3A_85 : memref<10000x32xf32, #tpu.memory_space<vmem_shared>>) offsets(%dma_start3A_82 : memref<128xi32, #tpu.memory_space<vmem>>) semaphore(%run_scoped3A_79 : memref<!tpu.dma_semaphore, #tpu.memory_space<semaphore_mem>>) {add = true}
      %dma_wait3A_86 = arith.constant 0 : i32
      %dma_wait3A_87 = tpu.memref_slice %arg7[%run_scoped3A_53, %dma_wait3A_86] : memref<40x128xi32, #tpu.memory_space<vmem>> -> memref<1x128xi32, #tpu.memory_space<vmem>>
      %dma_wait3A_88 = tpu.memref_squeeze %dma_wait3A_87 : memref<1x128xi32, #tpu.memory_space<vmem>> -> memref<128xi32, #tpu.memory_space<vmem>>
      %dma_wait3A_89 = arith.constant 0 : i32
      %dma_wait3A_90 = arith.constant 0 : i32
      %dma_wait3A_91 = tpu.memref_slice %arg14[%dma_wait3A_89, %dma_wait3A_90] : memref<10000x32xf32, #tpu.memory_space<vmem_shared>> -> memref<10000x32xf32, #tpu.memory_space<vmem_shared>>
      tpu.wait_indirect_dma semaphore(%run_scoped3A_79 : memref<!tpu.dma_semaphore, #tpu.memory_space<semaphore_mem>>) src(%arg9 : memref<128x32xf32, #tpu.memory_space<vmem>>) dst(%dma_wait3A_91 : memref<10000x32xf32, #tpu.memory_space<vmem_shared>>)
      tpu.yield
    }) : () -> ()
    %dma_start3A_54 = arith.constant 38 : i32
    %dma_start3A_55 = arith.constant 0 : i32
    %dma_start3A_56 = tpu.memref_slice %arg6[%dma_start3A_54, %dma_start3A_55] : memref<40x128xi32, #tpu.memory_space<vmem>> -> memref<1x128xi32, #tpu.memory_space<vmem>>
    %dma_start3A_57 = tpu.memref_squeeze %dma_start3A_56 : memref<1x128xi32, #tpu.memory_space<vmem>> -> memref<128xi32, #tpu.memory_space<vmem>>
    %dma_start3A_58 = arith.constant 0 : i32
    %dma_start3A_59 = arith.constant 0 : i32
    %dma_start3A_60 = tpu.memref_slice %arg13[%dma_start3A_58, %dma_start3A_59] : memref<10000x32xf32, #tpu.memory_space<vmem_shared>> -> memref<10000x32xf32, #tpu.memory_space<vmem_shared>>
    tpu.enqueue_indirect_dma source(%dma_start3A_60 : memref<10000x32xf32, #tpu.memory_space<vmem_shared>>) target(%arg10 : memref<128x32xf32, #tpu.memory_space<vmem>>) offsets(%dma_start3A_57 : memref<128xi32, #tpu.memory_space<vmem>>) semaphore(%arg17 : memref<!tpu.dma_semaphore, #tpu.memory_space<semaphore_mem>>)
    %dma_wait3A_61 = arith.constant 38 : i32
    %dma_wait3A_62 = arith.constant 0 : i32
    %dma_wait3A_63 = tpu.memref_slice %arg6[%dma_wait3A_61, %dma_wait3A_62] : memref<40x128xi32, #tpu.memory_space<vmem>> -> memref<1x128xi32, #tpu.memory_space<vmem>>
    %dma_wait3A_64 = tpu.memref_squeeze %dma_wait3A_63 : memref<1x128xi32, #tpu.memory_space<vmem>> -> memref<128xi32, #tpu.memory_space<vmem>>
    %dma_wait3A_65 = arith.constant 0 : i32
    %dma_wait3A_66 = arith.constant 0 : i32
    %dma_wait3A_67 = tpu.memref_slice %arg13[%dma_wait3A_65, %dma_wait3A_66] : memref<10000x32xf32, #tpu.memory_space<vmem_shared>> -> memref<10000x32xf32, #tpu.memory_space<vmem_shared>>
    tpu.wait_indirect_dma semaphore(%arg17 : memref<!tpu.dma_semaphore, #tpu.memory_space<semaphore_mem>>) src(%dma_wait3A_67 : memref<10000x32xf32, #tpu.memory_space<vmem_shared>>) dst(%arg10 : memref<128x32xf32, #tpu.memory_space<vmem>>)
    %run_scoped3A_68 = arith.constant 38 : i32
    "tpu.region"() ({
      %run_scoped3A_79 = tpu.sem_alloc : memref<!tpu.dma_semaphore, #tpu.memory_space<semaphore_mem>>
      %dma_start3A_80 = arith.constant 0 : i32
      %dma_start3A_81 = tpu.memref_slice %arg7[%run_scoped3A_68, %dma_start3A_80] : memref<40x128xi32, #tpu.memory_space<vmem>> -> memref<1x128xi32, #tpu.memory_space<vmem>>
      %dma_start3A_82 = tpu.memref_squeeze %dma_start3A_81 : memref<1x128xi32, #tpu.memory_space<vmem>> -> memref<128xi32, #tpu.memory_space<vmem>>
      %dma_start3A_83 = arith.constant 0 : i32
      %dma_start3A_84 = arith.constant 0 : i32
      %dma_start3A_85 = tpu.memref_slice %arg14[%dma_start3A_83, %dma_start3A_84] : memref<10000x32xf32, #tpu.memory_space<vmem_shared>> -> memref<10000x32xf32, #tpu.memory_space<vmem_shared>>
      tpu.enqueue_indirect_dma source(%arg10 : memref<128x32xf32, #tpu.memory_space<vmem>>) target(%dma_start3A_85 : memref<10000x32xf32, #tpu.memory_space<vmem_shared>>) offsets(%dma_start3A_82 : memref<128xi32, #tpu.memory_space<vmem>>) semaphore(%run_scoped3A_79 : memref<!tpu.dma_semaphore, #tpu.memory_space<semaphore_mem>>) {add = true}
      %dma_wait3A_86 = arith.constant 0 : i32
      %dma_wait3A_87 = tpu.memref_slice %arg7[%run_scoped3A_68, %dma_wait3A_86] : memref<40x128xi32, #tpu.memory_space<vmem>> -> memref<1x128xi32, #tpu.memory_space<vmem>>
      %dma_wait3A_88 = tpu.memref_squeeze %dma_wait3A_87 : memref<1x128xi32, #tpu.memory_space<vmem>> -> memref<128xi32, #tpu.memory_space<vmem>>
      %dma_wait3A_89 = arith.constant 0 : i32
      %dma_wait3A_90 = arith.constant 0 : i32
      %dma_wait3A_91 = tpu.memref_slice %arg14[%dma_wait3A_89, %dma_wait3A_90] : memref<10000x32xf32, #tpu.memory_space<vmem_shared>> -> memref<10000x32xf32, #tpu.memory_space<vmem_shared>>
      tpu.wait_indirect_dma semaphore(%run_scoped3A_79 : memref<!tpu.dma_semaphore, #tpu.memory_space<semaphore_mem>>) src(%arg10 : memref<128x32xf32, #tpu.memory_space<vmem>>) dst(%dma_wait3A_91 : memref<10000x32xf32, #tpu.memory_space<vmem_shared>>)
      tpu.yield
    }) : () -> ()
    %lt3A_69 = arith.constant 2 : i32
    %lt3A_70 = arith.cmpi slt, %add3A, %lt3A_69 : i32
    %convert_element_type3A_71 = arith.extui %lt3A_70 : i1 to i32
    %cond3A_72 = arith.constant 0 : i32
    %cond3A_73 = arith.cmpi ne, %convert_element_type3A_71, %cond3A_72 : i32
    scf.if %cond3A_73 {
      %dma_start3A_79 = arith.constant 39 : i32
      %dma_start3A_80 = arith.constant 0 : i32
      %dma_start3A_81 = tpu.memref_slice %arg6[%dma_start3A_79, %dma_start3A_80] : memref<40x128xi32, #tpu.memory_space<vmem>> -> memref<1x128xi32, #tpu.memory_space<vmem>>
      %dma_start3A_82 = tpu.memref_squeeze %dma_start3A_81 : memref<1x128xi32, #tpu.memory_space<vmem>> -> memref<128xi32, #tpu.memory_space<vmem>>
      %dma_start3A_83 = arith.constant 0 : i32
      %dma_start3A_84 = arith.constant 0 : i32
      %dma_start3A_85 = tpu.memref_slice %arg13[%dma_start3A_83, %dma_start3A_84] : memref<10000x32xf32, #tpu.memory_space<vmem_shared>> -> memref<10000x32xf32, #tpu.memory_space<vmem_shared>>
      tpu.enqueue_indirect_dma source(%dma_start3A_85 : memref<10000x32xf32, #tpu.memory_space<vmem_shared>>) target(%arg8 : memref<128x32xf32, #tpu.memory_space<vmem>>) offsets(%dma_start3A_82 : memref<128xi32, #tpu.memory_space<vmem>>) semaphore(%arg15 : memref<!tpu.dma_semaphore, #tpu.memory_space<semaphore_mem>>)
      %dma_wait3A_86 = arith.constant 39 : i32
      %dma_wait3A_87 = arith.constant 0 : i32
      %dma_wait3A_88 = tpu.memref_slice %arg6[%dma_wait3A_86, %dma_wait3A_87] : memref<40x128xi32, #tpu.memory_space<vmem>> -> memref<1x128xi32, #tpu.memory_space<vmem>>
      %dma_wait3A_89 = tpu.memref_squeeze %dma_wait3A_88 : memref<1x128xi32, #tpu.memory_space<vmem>> -> memref<128xi32, #tpu.memory_space<vmem>>
      %dma_wait3A_90 = arith.constant 0 : i32
      %dma_wait3A_91 = arith.constant 0 : i32
      %dma_wait3A_92 = tpu.memref_slice %arg13[%dma_wait3A_90, %dma_wait3A_91] : memref<10000x32xf32, #tpu.memory_space<vmem_shared>> -> memref<10000x32xf32, #tpu.memory_space<vmem_shared>>
      tpu.wait_indirect_dma semaphore(%arg15 : memref<!tpu.dma_semaphore, #tpu.memory_space<semaphore_mem>>) src(%dma_wait3A_92 : memref<10000x32xf32, #tpu.memory_space<vmem_shared>>) dst(%arg8 : memref<128x32xf32, #tpu.memory_space<vmem>>)
      %run_scoped3A_93 = arith.constant 39 : i32
      "tpu.region"() ({
        %run_scoped3A_94 = tpu.sem_alloc : memref<!tpu.dma_semaphore, #tpu.memory_space<semaphore_mem>>
        %dma_start3A_95 = arith.constant 0 : i32
        %dma_start3A_96 = tpu.memref_slice %arg7[%run_scoped3A_93, %dma_start3A_95] : memref<40x128xi32, #tpu.memory_space<vmem>> -> memref<1x128xi32, #tpu.memory_space<vmem>>
        %dma_start3A_97 = tpu.memref_squeeze %dma_start3A_96 : memref<1x128xi32, #tpu.memory_space<vmem>> -> memref<128xi32, #tpu.memory_space<vmem>>
        %dma_start3A_98 = arith.constant 0 : i32
        %dma_start3A_99 = arith.constant 0 : i32
        %dma_start3A_100 = tpu.memref_slice %arg14[%dma_start3A_98, %dma_start3A_99] : memref<10000x32xf32, #tpu.memory_space<vmem_shared>> -> memref<10000x32xf32, #tpu.memory_space<vmem_shared>>
        tpu.enqueue_indirect_dma source(%arg8 : memref<128x32xf32, #tpu.memory_space<vmem>>) target(%dma_start3A_100 : memref<10000x32xf32, #tpu.memory_space<vmem_shared>>) offsets(%dma_start3A_97 : memref<128xi32, #tpu.memory_space<vmem>>) semaphore(%run_scoped3A_94 : memref<!tpu.dma_semaphore, #tpu.memory_space<semaphore_mem>>) {add = true}
        %dma_wait3A_101 = arith.constant 0 : i32
        %dma_wait3A_102 = tpu.memref_slice %arg7[%run_scoped3A_93, %dma_wait3A_101] : memref<40x128xi32, #tpu.memory_space<vmem>> -> memref<1x128xi32, #tpu.memory_space<vmem>>
        %dma_wait3A_103 = tpu.memref_squeeze %dma_wait3A_102 : memref<1x128xi32, #tpu.memory_space<vmem>> -> memref<128xi32, #tpu.memory_space<vmem>>
        %dma_wait3A_104 = arith.constant 0 : i32
        %dma_wait3A_105 = arith.constant 0 : i32
        %dma_wait3A_106 = tpu.memref_slice %arg14[%dma_wait3A_104, %dma_wait3A_105] : memref<10000x32xf32, #tpu.memory_space<vmem_shared>> -> memref<10000x32xf32, #tpu.memory_space<vmem_shared>>
        tpu.wait_indirect_dma semaphore(%run_scoped3A_94 : memref<!tpu.dma_semaphore, #tpu.memory_space<semaphore_mem>>) src(%arg8 : memref<128x32xf32, #tpu.memory_space<vmem>>) dst(%dma_wait3A_106 : memref<10000x32xf32, #tpu.memory_space<vmem_shared>>)
        tpu.yield
      }) : () -> ()
    } else {
    }
    %barrier3A_74 = arith.constant 0 : index
    tpu.barrier barrier_id(%barrier3A_74)
    %mul3A_75 = arith.constant 625 : i32
    %mul3A_76 = arith.muli %arg1, %mul3A_75 : i32
    "tpu.region"() ({
      %run_scoped3A_79 = tpu.sem_alloc : memref<!tpu.dma_semaphore, #tpu.memory_space<semaphore_mem>>
      %dma_start3A_80 = arith.constant 0 : i32
      %dma_start3A_81 = tpu.memref_slice %arg14[%mul3A_76, %dma_start3A_80] : memref<10000x32xf32, #tpu.memory_space<vmem_shared>> -> memref<625x32xf32, #tpu.memory_space<vmem_shared>>
      %dma_start3A_82 = arith.constant 0 : i32
      %dma_start3A_83 = tpu.memref_slice %arg14[%mul3A_76, %dma_start3A_82] : memref<10000x32xf32, #tpu.memory_space<vmem_shared>> -> memref<625x32xf32, #tpu.memory_space<vmem_shared>>
      tpu.enqueue_dma source(%dma_start3A_83 : memref<625x32xf32, #tpu.memory_space<vmem_shared>>) target(%arg12 : memref<625x32xf32, #tpu.memory_space<vmem>>) target_semaphore(%run_scoped3A_79 : memref<!tpu.dma_semaphore, #tpu.memory_space<semaphore_mem>>)
      %dma_wait3A_84 = arith.constant 0 : i32
      %dma_wait3A_85 = tpu.memref_slice %arg14[%mul3A_76, %dma_wait3A_84] : memref<10000x32xf32, #tpu.memory_space<vmem_shared>> -> memref<625x32xf32, #tpu.memory_space<vmem_shared>>
      %dma_wait3A_86 = arith.constant 0 : i32
      %dma_wait3A_87 = tpu.memref_slice %arg14[%mul3A_76, %dma_wait3A_86] : memref<10000x32xf32, #tpu.memory_space<vmem_shared>> -> memref<625x32xf32, #tpu.memory_space<vmem_shared>>
      tpu.wait_dma2 semaphore(%run_scoped3A_79 : memref<!tpu.dma_semaphore, #tpu.memory_space<semaphore_mem>>) src(%dma_wait3A_87 : memref<625x32xf32, #tpu.memory_space<vmem_shared>>) dst(%arg12 : memref<625x32xf32, #tpu.memory_space<vmem>>)
      tpu.yield
    }) : () -> ()
    %mul3A_77 = arith.constant 625 : i32
    %mul3A_78 = arith.muli %arg1, %mul3A_77 : i32
    "tpu.region"() ({
      %run_scoped3A_79 = tpu.sem_alloc : memref<!tpu.dma_semaphore, #tpu.memory_space<semaphore_mem>>
      %dma_start3A_80 = arith.constant 0 : i32
      %dma_start3A_81 = tpu.memref_slice %arg5[%arg0, %mul3A_78, %dma_start3A_80] : memref<2x10000x32xf32, #tpu.memory_space<hbm>> -> memref<1x625x32xf32, #tpu.memory_space<hbm>>
      %dma_start3A_82 = tpu.memref_squeeze %dma_start3A_81 : memref<1x625x32xf32, #tpu.memory_space<hbm>> -> memref<625x32xf32, #tpu.memory_space<hbm>>
      %dma_start3A_83 = arith.constant 0 : i32
      %dma_start3A_84 = tpu.memref_slice %arg5[%arg0, %mul3A_78, %dma_start3A_83] : memref<2x10000x32xf32, #tpu.memory_space<hbm>> -> memref<1x625x32xf32, #tpu.memory_space<hbm>>
      %dma_start3A_85 = tpu.memref_squeeze %dma_start3A_84 : memref<1x625x32xf32, #tpu.memory_space<hbm>> -> memref<625x32xf32, #tpu.memory_space<hbm>>
      tpu.enqueue_dma source(%arg12 : memref<625x32xf32, #tpu.memory_space<vmem>>) target(%dma_start3A_85 : memref<625x32xf32, #tpu.memory_space<hbm>>) target_semaphore(%run_scoped3A_79 : memref<!tpu.dma_semaphore, #tpu.memory_space<semaphore_mem>>)
      %dma_wait3A_86 = arith.constant 0 : i32
      %dma_wait3A_87 = tpu.memref_slice %arg5[%arg0, %mul3A_78, %dma_wait3A_86] : memref<2x10000x32xf32, #tpu.memory_space<hbm>> -> memref<1x625x32xf32, #tpu.memory_space<hbm>>
      %dma_wait3A_88 = tpu.memref_squeeze %dma_wait3A_87 : memref<1x625x32xf32, #tpu.memory_space<hbm>> -> memref<625x32xf32, #tpu.memory_space<hbm>>
      %dma_wait3A_89 = arith.constant 0 : i32
      %dma_wait3A_90 = tpu.memref_slice %arg5[%arg0, %mul3A_78, %dma_wait3A_89] : memref<2x10000x32xf32, #tpu.memory_space<hbm>> -> memref<1x625x32xf32, #tpu.memory_space<hbm>>
      %dma_wait3A_91 = tpu.memref_squeeze %dma_wait3A_90 : memref<1x625x32xf32, #tpu.memory_space<hbm>> -> memref<625x32xf32, #tpu.memory_space<hbm>>
      tpu.wait_dma2 semaphore(%run_scoped3A_79 : memref<!tpu.dma_semaphore, #tpu.memory_space<semaphore_mem>>) src(%arg12 : memref<625x32xf32, #tpu.memory_space<vmem>>) dst(%dma_wait3A_91 : memref<625x32xf32, #tpu.memory_space<hbm>>)
      tpu.yield
    }) : () -> ()
    return
  }
}

#map = affine_map<(d0, d1) -> (0, 0, 0)>
#map1 = affine_map<(d0, d1) -> (0, 0)>
module attributes {stable_mosaic.version = 14 : i64} {
  func.func @_sc_layer2_body(%arg0: i32, %arg1: i32, %arg2: memref<2x10000x32xf32, #tpu.memory_space<hbm>>, %arg3: memref<10000x32xf32, #tpu.memory_space<hbm>>, %arg4: memref<2x1250x128xi32, #tpu.memory_space<hbm>>, %arg5: memref<2x10000x32xf32, #tpu.memory_space<hbm>>, %arg6: memref<40x128xi32, #tpu.memory_space<vmem>>, %arg7: memref<40x128xi32, #tpu.memory_space<vmem>>, %arg8: memref<128x32xf32, #tpu.memory_space<vmem>>, %arg9: memref<128x32xf32, #tpu.memory_space<vmem>>, %arg10: memref<128x32xf32, #tpu.memory_space<vmem>>, %arg11: memref<128x32xf32, #tpu.memory_space<vmem>>, %arg12: memref<625x32xf32, #tpu.memory_space<vmem>>, %arg13: memref<625x32xf32, #tpu.memory_space<vmem>>, %arg14: memref<10000x32xf32, #tpu.memory_space<vmem_shared>>, %arg15: memref<10000x32xf32, #tpu.memory_space<vmem_shared>>, %arg16: memref<!tpu.dma_semaphore, #tpu.memory_space<semaphore_mem>>, %arg17: memref<!tpu.dma_semaphore, #tpu.memory_space<semaphore_mem>>, %arg18: memref<!tpu.dma_semaphore, #tpu.memory_space<semaphore_mem>>, %arg19: memref<!tpu.dma_semaphore, #tpu.memory_space<semaphore_mem>>) attributes {dimension_semantics = [#tpu.dimension_semantics<core_parallel>, #tpu.dimension_semantics<subcore_parallel>], iteration_bounds = array<i64: 2, 16>, scalar_prefetch = 0 : i64, scratch_operands = 14 : i64, tpu.core_type = #tpu.core_type<sc_vector_subcore>, window_params = [{transform_indices = #map}, {transform_indices = #map1}, {transform_indices = #map}, {transform_indices = #map}]} {
    %mul3A = arith.constant 16 : i32
    %mul3A_0 = arith.muli %arg0, %mul3A : i32
    %add3A = arith.addi %mul3A_0, %arg1 : i32
    %mul3A_1 = arith.constant 625 : i32
    %mul3A_2 = arith.muli %arg1, %mul3A_1 : i32
    %run_scoped3A = arith.constant 0 : i32
    "tpu.region"() ({
      %run_scoped3A_89 = tpu.sem_alloc : memref<!tpu.dma_semaphore, #tpu.memory_space<semaphore_mem>>
      %dma_start3A_90 = arith.constant 0 : i32
      %dma_start3A_91 = tpu.memref_slice %arg2[%run_scoped3A, %mul3A_2, %dma_start3A_90] : memref<2x10000x32xf32, #tpu.memory_space<hbm>> -> memref<1x625x32xf32, #tpu.memory_space<hbm>>
      %dma_start3A_92 = tpu.memref_squeeze %dma_start3A_91 : memref<1x625x32xf32, #tpu.memory_space<hbm>> -> memref<625x32xf32, #tpu.memory_space<hbm>>
      %dma_start3A_93 = arith.constant 0 : i32
      %dma_start3A_94 = tpu.memref_slice %arg2[%run_scoped3A, %mul3A_2, %dma_start3A_93] : memref<2x10000x32xf32, #tpu.memory_space<hbm>> -> memref<1x625x32xf32, #tpu.memory_space<hbm>>
      %dma_start3A_95 = tpu.memref_squeeze %dma_start3A_94 : memref<1x625x32xf32, #tpu.memory_space<hbm>> -> memref<625x32xf32, #tpu.memory_space<hbm>>
      tpu.enqueue_dma source(%dma_start3A_95 : memref<625x32xf32, #tpu.memory_space<hbm>>) target(%arg12 : memref<625x32xf32, #tpu.memory_space<vmem>>) target_semaphore(%run_scoped3A_89 : memref<!tpu.dma_semaphore, #tpu.memory_space<semaphore_mem>>)
      %dma_wait3A_96 = arith.constant 0 : i32
      %dma_wait3A_97 = tpu.memref_slice %arg2[%run_scoped3A, %mul3A_2, %dma_wait3A_96] : memref<2x10000x32xf32, #tpu.memory_space<hbm>> -> memref<1x625x32xf32, #tpu.memory_space<hbm>>
      %dma_wait3A_98 = tpu.memref_squeeze %dma_wait3A_97 : memref<1x625x32xf32, #tpu.memory_space<hbm>> -> memref<625x32xf32, #tpu.memory_space<hbm>>
      %dma_wait3A_99 = arith.constant 0 : i32
      %dma_wait3A_100 = tpu.memref_slice %arg2[%run_scoped3A, %mul3A_2, %dma_wait3A_99] : memref<2x10000x32xf32, #tpu.memory_space<hbm>> -> memref<1x625x32xf32, #tpu.memory_space<hbm>>
      %dma_wait3A_101 = tpu.memref_squeeze %dma_wait3A_100 : memref<1x625x32xf32, #tpu.memory_space<hbm>> -> memref<625x32xf32, #tpu.memory_space<hbm>>
      tpu.wait_dma2 semaphore(%run_scoped3A_89 : memref<!tpu.dma_semaphore, #tpu.memory_space<semaphore_mem>>) src(%dma_wait3A_101 : memref<625x32xf32, #tpu.memory_space<hbm>>) dst(%arg12 : memref<625x32xf32, #tpu.memory_space<vmem>>)
      tpu.yield
    }) : () -> ()
    %mul3A_3 = arith.constant 625 : i32
    %mul3A_4 = arith.muli %arg1, %mul3A_3 : i32
    %run_scoped3A_5 = arith.constant 1 : i32
    "tpu.region"() ({
      %run_scoped3A_89 = tpu.sem_alloc : memref<!tpu.dma_semaphore, #tpu.memory_space<semaphore_mem>>
      %dma_start3A_90 = arith.constant 0 : i32
      %dma_start3A_91 = tpu.memref_slice %arg2[%run_scoped3A_5, %mul3A_4, %dma_start3A_90] : memref<2x10000x32xf32, #tpu.memory_space<hbm>> -> memref<1x625x32xf32, #tpu.memory_space<hbm>>
      %dma_start3A_92 = tpu.memref_squeeze %dma_start3A_91 : memref<1x625x32xf32, #tpu.memory_space<hbm>> -> memref<625x32xf32, #tpu.memory_space<hbm>>
      %dma_start3A_93 = arith.constant 0 : i32
      %dma_start3A_94 = tpu.memref_slice %arg2[%run_scoped3A_5, %mul3A_4, %dma_start3A_93] : memref<2x10000x32xf32, #tpu.memory_space<hbm>> -> memref<1x625x32xf32, #tpu.memory_space<hbm>>
      %dma_start3A_95 = tpu.memref_squeeze %dma_start3A_94 : memref<1x625x32xf32, #tpu.memory_space<hbm>> -> memref<625x32xf32, #tpu.memory_space<hbm>>
      tpu.enqueue_dma source(%dma_start3A_95 : memref<625x32xf32, #tpu.memory_space<hbm>>) target(%arg13 : memref<625x32xf32, #tpu.memory_space<vmem>>) target_semaphore(%run_scoped3A_89 : memref<!tpu.dma_semaphore, #tpu.memory_space<semaphore_mem>>)
      %dma_wait3A_96 = arith.constant 0 : i32
      %dma_wait3A_97 = tpu.memref_slice %arg2[%run_scoped3A_5, %mul3A_4, %dma_wait3A_96] : memref<2x10000x32xf32, #tpu.memory_space<hbm>> -> memref<1x625x32xf32, #tpu.memory_space<hbm>>
      %dma_wait3A_98 = tpu.memref_squeeze %dma_wait3A_97 : memref<1x625x32xf32, #tpu.memory_space<hbm>> -> memref<625x32xf32, #tpu.memory_space<hbm>>
      %dma_wait3A_99 = arith.constant 0 : i32
      %dma_wait3A_100 = tpu.memref_slice %arg2[%run_scoped3A_5, %mul3A_4, %dma_wait3A_99] : memref<2x10000x32xf32, #tpu.memory_space<hbm>> -> memref<1x625x32xf32, #tpu.memory_space<hbm>>
      %dma_wait3A_101 = tpu.memref_squeeze %dma_wait3A_100 : memref<1x625x32xf32, #tpu.memory_space<hbm>> -> memref<625x32xf32, #tpu.memory_space<hbm>>
      tpu.wait_dma2 semaphore(%run_scoped3A_89 : memref<!tpu.dma_semaphore, #tpu.memory_space<semaphore_mem>>) src(%dma_wait3A_101 : memref<625x32xf32, #tpu.memory_space<hbm>>) dst(%arg13 : memref<625x32xf32, #tpu.memory_space<vmem>>)
      tpu.yield
    }) : () -> ()
    %scan3A = arith.constant 0 : i32
    %scan3A_6 = arith.constant 0 : i32
    %scan3A_7 = arith.constant 625 : i32
    %scan3A_8 = arith.addi %scan3A_6, %scan3A_7 : i32
    %scan3A_9 = arith.constant 1 : i32
    scf.for %scan3A_89 = %scan3A_6 to %scan3A_8 step %scan3A_9  : i32 {
      %get3A = arith.index_cast %scan3A_89 : i32 to index
      %get3A_90 = arith.constant 0 : index
      %get3A_91 = tpu.vector_load %arg12[%get3A, %get3A_90] {strides = array<i32>} : memref<625x32xf32, #tpu.memory_space<vmem>>, vector<1x16xf32>,
      %get3A_92 = vector.shape_cast %get3A_91 : vector<1x16xf32> to vector<16xf32>
      %get3A_93 = arith.index_cast %scan3A_89 : i32 to index
      %get3A_94 = arith.constant 0 : index
      %get3A_95 = tpu.vector_load %arg13[%get3A_93, %get3A_94] {strides = array<i32>} : memref<625x32xf32, #tpu.memory_space<vmem>>, vector<1x16xf32>,
      %get3A_96 = vector.shape_cast %get3A_95 : vector<1x16xf32> to vector<16xf32>
      %add3A_97 = arith.addf %get3A_92, %get3A_96 : vector<16xf32>
      %max3A = arith.constant 0.000000e+00 : f32
      %max3A_98 = vector.broadcast %max3A : f32 to vector<16xf32>
      %max3A_99 = arith.maximumf %add3A_97, %max3A_98 : vector<16xf32>
      %swap3A = arith.index_cast %scan3A_89 : i32 to index
      %swap3A_100 = arith.constant 0 : index
      %swap3A_101 = tpu.vector_load %arg12[%swap3A, %swap3A_100] {strides = array<i32>} : memref<625x32xf32, #tpu.memory_space<vmem>>, vector<1x16xf32>,
      %swap3A_102 = vector.shape_cast %swap3A_101 : vector<1x16xf32> to vector<16xf32>
      %swap3A_103 = vector.shape_cast %max3A_99 : vector<16xf32> to vector<1x16xf32>
      tpu.vector_store %arg12[%swap3A, %swap3A_100], %swap3A_103 {strides = array<i32>} : memref<625x32xf32, #tpu.memory_space<vmem>>, vector<1x16xf32>,
      %get3A_104 = arith.index_cast %scan3A_89 : i32 to index
      %get3A_105 = arith.constant 16 : index
      %get3A_106 = tpu.vector_load %arg12[%get3A_104, %get3A_105] {strides = array<i32>} : memref<625x32xf32, #tpu.memory_space<vmem>>, vector<1x16xf32>,
      %get3A_107 = vector.shape_cast %get3A_106 : vector<1x16xf32> to vector<16xf32>
      %get3A_108 = arith.index_cast %scan3A_89 : i32 to index
      %get3A_109 = arith.constant 16 : index
      %get3A_110 = tpu.vector_load %arg13[%get3A_108, %get3A_109] {strides = array<i32>} : memref<625x32xf32, #tpu.memory_space<vmem>>, vector<1x16xf32>,
      %get3A_111 = vector.shape_cast %get3A_110 : vector<1x16xf32> to vector<16xf32>
      %add3A_112 = arith.addf %get3A_107, %get3A_111 : vector<16xf32>
      %max3A_113 = arith.constant 0.000000e+00 : f32
      %max3A_114 = vector.broadcast %max3A_113 : f32 to vector<16xf32>
      %max3A_115 = arith.maximumf %add3A_112, %max3A_114 : vector<16xf32>
      %swap3A_116 = arith.index_cast %scan3A_89 : i32 to index
      %swap3A_117 = arith.constant 16 : index
      %swap3A_118 = tpu.vector_load %arg12[%swap3A_116, %swap3A_117] {strides = array<i32>} : memref<625x32xf32, #tpu.memory_space<vmem>>, vector<1x16xf32>,
      %swap3A_119 = vector.shape_cast %swap3A_118 : vector<1x16xf32> to vector<16xf32>
      %swap3A_120 = vector.shape_cast %max3A_115 : vector<16xf32> to vector<1x16xf32>
      tpu.vector_store %arg12[%swap3A_116, %swap3A_117], %swap3A_120 {strides = array<i32>} : memref<625x32xf32, #tpu.memory_space<vmem>>, vector<1x16xf32>,
    }
    %scan3A_10 = arith.constant 625 : i32
    %mul3A_11 = arith.constant 625 : i32
    %mul3A_12 = arith.muli %arg1, %mul3A_11 : i32
    "tpu.region"() ({
      %run_scoped3A_89 = tpu.sem_alloc : memref<!tpu.dma_semaphore, #tpu.memory_space<semaphore_mem>>
      %dma_start3A_90 = arith.constant 0 : i32
      %dma_start3A_91 = tpu.memref_slice %arg14[%mul3A_12, %dma_start3A_90] : memref<10000x32xf32, #tpu.memory_space<vmem_shared>> -> memref<625x32xf32, #tpu.memory_space<vmem_shared>>
      %dma_start3A_92 = arith.constant 0 : i32
      %dma_start3A_93 = tpu.memref_slice %arg14[%mul3A_12, %dma_start3A_92] : memref<10000x32xf32, #tpu.memory_space<vmem_shared>> -> memref<625x32xf32, #tpu.memory_space<vmem_shared>>
      tpu.enqueue_dma source(%arg12 : memref<625x32xf32, #tpu.memory_space<vmem>>) target(%dma_start3A_93 : memref<625x32xf32, #tpu.memory_space<vmem_shared>>) target_semaphore(%run_scoped3A_89 : memref<!tpu.dma_semaphore, #tpu.memory_space<semaphore_mem>>)
      %dma_wait3A_94 = arith.constant 0 : i32
      %dma_wait3A_95 = tpu.memref_slice %arg14[%mul3A_12, %dma_wait3A_94] : memref<10000x32xf32, #tpu.memory_space<vmem_shared>> -> memref<625x32xf32, #tpu.memory_space<vmem_shared>>
      %dma_wait3A_96 = arith.constant 0 : i32
      %dma_wait3A_97 = tpu.memref_slice %arg14[%mul3A_12, %dma_wait3A_96] : memref<10000x32xf32, #tpu.memory_space<vmem_shared>> -> memref<625x32xf32, #tpu.memory_space<vmem_shared>>
      tpu.wait_dma2 semaphore(%run_scoped3A_89 : memref<!tpu.dma_semaphore, #tpu.memory_space<semaphore_mem>>) src(%arg12 : memref<625x32xf32, #tpu.memory_space<vmem>>) dst(%dma_wait3A_97 : memref<625x32xf32, #tpu.memory_space<vmem_shared>>)
      tpu.yield
    }) : () -> ()
    %eq3A = arith.constant 0 : i32
    %eq3A_13 = arith.cmpi eq, %arg0, %eq3A : i32
    %convert_element_type3A = arith.extui %eq3A_13 : i1 to i32
    %cond3A = arith.constant 0 : i32
    %cond3A_14 = arith.cmpi ne, %convert_element_type3A, %cond3A : i32
    scf.if %cond3A_14 {
      %mul3A_89 = arith.constant 625 : i32
      %mul3A_90 = arith.muli %arg1, %mul3A_89 : i32
      "tpu.region"() ({
        %run_scoped3A_91 = tpu.sem_alloc : memref<!tpu.dma_semaphore, #tpu.memory_space<semaphore_mem>>
        %dma_start3A_92 = arith.constant 0 : i32
        %dma_start3A_93 = tpu.memref_slice %arg15[%mul3A_90, %dma_start3A_92] : memref<10000x32xf32, #tpu.memory_space<vmem_shared>> -> memref<625x32xf32, #tpu.memory_space<vmem_shared>>
        %dma_start3A_94 = arith.constant 0 : i32
        %dma_start3A_95 = tpu.memref_slice %arg15[%mul3A_90, %dma_start3A_94] : memref<10000x32xf32, #tpu.memory_space<vmem_shared>> -> memref<625x32xf32, #tpu.memory_space<vmem_shared>>
        tpu.enqueue_dma source(%arg12 : memref<625x32xf32, #tpu.memory_space<vmem>>) target(%dma_start3A_95 : memref<625x32xf32, #tpu.memory_space<vmem_shared>>) target_semaphore(%run_scoped3A_91 : memref<!tpu.dma_semaphore, #tpu.memory_space<semaphore_mem>>)
        %dma_wait3A_96 = arith.constant 0 : i32
        %dma_wait3A_97 = tpu.memref_slice %arg15[%mul3A_90, %dma_wait3A_96] : memref<10000x32xf32, #tpu.memory_space<vmem_shared>> -> memref<625x32xf32, #tpu.memory_space<vmem_shared>>
        %dma_wait3A_98 = arith.constant 0 : i32
        %dma_wait3A_99 = tpu.memref_slice %arg15[%mul3A_90, %dma_wait3A_98] : memref<10000x32xf32, #tpu.memory_space<vmem_shared>> -> memref<625x32xf32, #tpu.memory_space<vmem_shared>>
        tpu.wait_dma2 semaphore(%run_scoped3A_91 : memref<!tpu.dma_semaphore, #tpu.memory_space<semaphore_mem>>) src(%arg12 : memref<625x32xf32, #tpu.memory_space<vmem>>) dst(%dma_wait3A_99 : memref<625x32xf32, #tpu.memory_space<vmem_shared>>)
        tpu.yield
      }) : () -> ()
    } else {
    }
    %eq3A_15 = arith.constant 1 : i32
    %eq3A_16 = arith.cmpi eq, %arg0, %eq3A_15 : i32
    %convert_element_type3A_17 = arith.extui %eq3A_16 : i1 to i32
    %cond3A_18 = arith.constant 0 : i32
    %cond3A_19 = arith.cmpi ne, %convert_element_type3A_17, %cond3A_18 : i32
    scf.if %cond3A_19 {
      %mul3A_89 = arith.constant 625 : i32
      %mul3A_90 = arith.muli %arg1, %mul3A_89 : i32
      "tpu.region"() ({
        %run_scoped3A_93 = tpu.sem_alloc : memref<!tpu.dma_semaphore, #tpu.memory_space<semaphore_mem>>
        %dma_start3A_94 = arith.constant 0 : i32
        %dma_start3A_95 = tpu.memref_slice %arg3[%mul3A_90, %dma_start3A_94] : memref<10000x32xf32, #tpu.memory_space<hbm>> -> memref<625x32xf32, #tpu.memory_space<hbm>>
        %dma_start3A_96 = arith.constant 0 : i32
        %dma_start3A_97 = tpu.memref_slice %arg3[%mul3A_90, %dma_start3A_96] : memref<10000x32xf32, #tpu.memory_space<hbm>> -> memref<625x32xf32, #tpu.memory_space<hbm>>
        tpu.enqueue_dma source(%dma_start3A_97 : memref<625x32xf32, #tpu.memory_space<hbm>>) target(%arg13 : memref<625x32xf32, #tpu.memory_space<vmem>>) target_semaphore(%run_scoped3A_93 : memref<!tpu.dma_semaphore, #tpu.memory_space<semaphore_mem>>)
        %dma_wait3A_98 = arith.constant 0 : i32
        %dma_wait3A_99 = tpu.memref_slice %arg3[%mul3A_90, %dma_wait3A_98] : memref<10000x32xf32, #tpu.memory_space<hbm>> -> memref<625x32xf32, #tpu.memory_space<hbm>>
        %dma_wait3A_100 = arith.constant 0 : i32
        %dma_wait3A_101 = tpu.memref_slice %arg3[%mul3A_90, %dma_wait3A_100] : memref<10000x32xf32, #tpu.memory_space<hbm>> -> memref<625x32xf32, #tpu.memory_space<hbm>>
        tpu.wait_dma2 semaphore(%run_scoped3A_93 : memref<!tpu.dma_semaphore, #tpu.memory_space<semaphore_mem>>) src(%dma_wait3A_101 : memref<625x32xf32, #tpu.memory_space<hbm>>) dst(%arg13 : memref<625x32xf32, #tpu.memory_space<vmem>>)
        tpu.yield
      }) : () -> ()
      %mul3A_91 = arith.constant 625 : i32
      %mul3A_92 = arith.muli %arg1, %mul3A_91 : i32
      "tpu.region"() ({
        %run_scoped3A_93 = tpu.sem_alloc : memref<!tpu.dma_semaphore, #tpu.memory_space<semaphore_mem>>
        %dma_start3A_94 = arith.constant 0 : i32
        %dma_start3A_95 = tpu.memref_slice %arg15[%mul3A_92, %dma_start3A_94] : memref<10000x32xf32, #tpu.memory_space<vmem_shared>> -> memref<625x32xf32, #tpu.memory_space<vmem_shared>>
        %dma_start3A_96 = arith.constant 0 : i32
        %dma_start3A_97 = tpu.memref_slice %arg15[%mul3A_92, %dma_start3A_96] : memref<10000x32xf32, #tpu.memory_space<vmem_shared>> -> memref<625x32xf32, #tpu.memory_space<vmem_shared>>
        tpu.enqueue_dma source(%arg13 : memref<625x32xf32, #tpu.memory_space<vmem>>) target(%dma_start3A_97 : memref<625x32xf32, #tpu.memory_space<vmem_shared>>) target_semaphore(%run_scoped3A_93 : memref<!tpu.dma_semaphore, #tpu.memory_space<semaphore_mem>>)
        %dma_wait3A_98 = arith.constant 0 : i32
        %dma_wait3A_99 = tpu.memref_slice %arg15[%mul3A_92, %dma_wait3A_98] : memref<10000x32xf32, #tpu.memory_space<vmem_shared>> -> memref<625x32xf32, #tpu.memory_space<vmem_shared>>
        %dma_wait3A_100 = arith.constant 0 : i32
        %dma_wait3A_101 = tpu.memref_slice %arg15[%mul3A_92, %dma_wait3A_100] : memref<10000x32xf32, #tpu.memory_space<vmem_shared>> -> memref<625x32xf32, #tpu.memory_space<vmem_shared>>
        tpu.wait_dma2 semaphore(%run_scoped3A_93 : memref<!tpu.dma_semaphore, #tpu.memory_space<semaphore_mem>>) src(%arg13 : memref<625x32xf32, #tpu.memory_space<vmem>>) dst(%dma_wait3A_101 : memref<625x32xf32, #tpu.memory_space<vmem_shared>>)
        tpu.yield
      }) : () -> ()
    } else {
    }
    %mul3A_20 = arith.constant 39 : i32
    %mul3A_21 = arith.muli %add3A, %mul3A_20 : i32
    %run_scoped3A_22 = arith.constant 0 : i32
    "tpu.region"() ({
      %run_scoped3A_89 = tpu.sem_alloc : memref<!tpu.dma_semaphore, #tpu.memory_space<semaphore_mem>>
      %dma_start3A_90 = arith.constant 0 : i32
      %dma_start3A_91 = arith.constant 0 : i32
      %dma_start3A_92 = tpu.memref_slice %arg6[%dma_start3A_90, %dma_start3A_91] : memref<40x128xi32, #tpu.memory_space<vmem>> -> memref<39x128xi32, #tpu.memory_space<vmem>>
      %dma_start3A_93 = arith.constant 0 : i32
      %dma_start3A_94 = tpu.memref_slice %arg4[%run_scoped3A_22, %mul3A_21, %dma_start3A_93] : memref<2x1250x128xi32, #tpu.memory_space<hbm>> -> memref<1x39x128xi32, #tpu.memory_space<hbm>>
      %dma_start3A_95 = tpu.memref_squeeze %dma_start3A_94 : memref<1x39x128xi32, #tpu.memory_space<hbm>> -> memref<39x128xi32, #tpu.memory_space<hbm>>
      %dma_start3A_96 = arith.constant 0 : i32
      %dma_start3A_97 = arith.constant 0 : i32
      %dma_start3A_98 = tpu.memref_slice %arg6[%dma_start3A_96, %dma_start3A_97] : memref<40x128xi32, #tpu.memory_space<vmem>> -> memref<39x128xi32, #tpu.memory_space<vmem>>
      %dma_start3A_99 = arith.constant 0 : i32
      %dma_start3A_100 = tpu.memref_slice %arg4[%run_scoped3A_22, %mul3A_21, %dma_start3A_99] : memref<2x1250x128xi32, #tpu.memory_space<hbm>> -> memref<1x39x128xi32, #tpu.memory_space<hbm>>
      %dma_start3A_101 = tpu.memref_squeeze %dma_start3A_100 : memref<1x39x128xi32, #tpu.memory_space<hbm>> -> memref<39x128xi32, #tpu.memory_space<hbm>>
      tpu.enqueue_dma source(%dma_start3A_101 : memref<39x128xi32, #tpu.memory_space<hbm>>) target(%dma_start3A_98 : memref<39x128xi32, #tpu.memory_space<vmem>>) target_semaphore(%run_scoped3A_89 : memref<!tpu.dma_semaphore, #tpu.memory_space<semaphore_mem>>)
      %dma_wait3A_102 = arith.constant 0 : i32
      %dma_wait3A_103 = arith.constant 0 : i32
      %dma_wait3A_104 = tpu.memref_slice %arg6[%dma_wait3A_102, %dma_wait3A_103] : memref<40x128xi32, #tpu.memory_space<vmem>> -> memref<39x128xi32, #tpu.memory_space<vmem>>
      %dma_wait3A_105 = arith.constant 0 : i32
      %dma_wait3A_106 = tpu.memref_slice %arg4[%run_scoped3A_22, %mul3A_21, %dma_wait3A_105] : memref<2x1250x128xi32, #tpu.memory_space<hbm>> -> memref<1x39x128xi32, #tpu.memory_space<hbm>>
      %dma_wait3A_107 = tpu.memref_squeeze %dma_wait3A_106 : memref<1x39x128xi32, #tpu.memory_space<hbm>> -> memref<39x128xi32, #tpu.memory_space<hbm>>
      %dma_wait3A_108 = arith.constant 0 : i32
      %dma_wait3A_109 = arith.constant 0 : i32
      %dma_wait3A_110 = tpu.memref_slice %arg6[%dma_wait3A_108, %dma_wait3A_109] : memref<40x128xi32, #tpu.memory_space<vmem>> -> memref<39x128xi32, #tpu.memory_space<vmem>>
      %dma_wait3A_111 = arith.constant 0 : i32
      %dma_wait3A_112 = tpu.memref_slice %arg4[%run_scoped3A_22, %mul3A_21, %dma_wait3A_111] : memref<2x1250x128xi32, #tpu.memory_space<hbm>> -> memref<1x39x128xi32, #tpu.memory_space<hbm>>
      %dma_wait3A_113 = tpu.memref_squeeze %dma_wait3A_112 : memref<1x39x128xi32, #tpu.memory_space<hbm>> -> memref<39x128xi32, #tpu.memory_space<hbm>>
      tpu.wait_dma2 semaphore(%run_scoped3A_89 : memref<!tpu.dma_semaphore, #tpu.memory_space<semaphore_mem>>) src(%dma_wait3A_113 : memref<39x128xi32, #tpu.memory_space<hbm>>) dst(%dma_wait3A_110 : memref<39x128xi32, #tpu.memory_space<vmem>>)
      tpu.yield
    }) : () -> ()
    %mul3A_23 = arith.constant 39 : i32
    %mul3A_24 = arith.muli %add3A, %mul3A_23 : i32
    %run_scoped3A_25 = arith.constant 1 : i32
    "tpu.region"() ({
      %run_scoped3A_89 = tpu.sem_alloc : memref<!tpu.dma_semaphore, #tpu.memory_space<semaphore_mem>>
      %dma_start3A_90 = arith.constant 0 : i32
      %dma_start3A_91 = arith.constant 0 : i32
      %dma_start3A_92 = tpu.memref_slice %arg7[%dma_start3A_90, %dma_start3A_91] : memref<40x128xi32, #tpu.memory_space<vmem>> -> memref<39x128xi32, #tpu.memory_space<vmem>>
      %dma_start3A_93 = arith.constant 0 : i32
      %dma_start3A_94 = tpu.memref_slice %arg4[%run_scoped3A_25, %mul3A_24, %dma_start3A_93] : memref<2x1250x128xi32, #tpu.memory_space<hbm>> -> memref<1x39x128xi32, #tpu.memory_space<hbm>>
      %dma_start3A_95 = tpu.memref_squeeze %dma_start3A_94 : memref<1x39x128xi32, #tpu.memory_space<hbm>> -> memref<39x128xi32, #tpu.memory_space<hbm>>
      %dma_start3A_96 = arith.constant 0 : i32
      %dma_start3A_97 = arith.constant 0 : i32
      %dma_start3A_98 = tpu.memref_slice %arg7[%dma_start3A_96, %dma_start3A_97] : memref<40x128xi32, #tpu.memory_space<vmem>> -> memref<39x128xi32, #tpu.memory_space<vmem>>
      %dma_start3A_99 = arith.constant 0 : i32
      %dma_start3A_100 = tpu.memref_slice %arg4[%run_scoped3A_25, %mul3A_24, %dma_start3A_99] : memref<2x1250x128xi32, #tpu.memory_space<hbm>> -> memref<1x39x128xi32, #tpu.memory_space<hbm>>
      %dma_start3A_101 = tpu.memref_squeeze %dma_start3A_100 : memref<1x39x128xi32, #tpu.memory_space<hbm>> -> memref<39x128xi32, #tpu.memory_space<hbm>>
      tpu.enqueue_dma source(%dma_start3A_101 : memref<39x128xi32, #tpu.memory_space<hbm>>) target(%dma_start3A_98 : memref<39x128xi32, #tpu.memory_space<vmem>>) target_semaphore(%run_scoped3A_89 : memref<!tpu.dma_semaphore, #tpu.memory_space<semaphore_mem>>)
      %dma_wait3A_102 = arith.constant 0 : i32
      %dma_wait3A_103 = arith.constant 0 : i32
      %dma_wait3A_104 = tpu.memref_slice %arg7[%dma_wait3A_102, %dma_wait3A_103] : memref<40x128xi32, #tpu.memory_space<vmem>> -> memref<39x128xi32, #tpu.memory_space<vmem>>
      %dma_wait3A_105 = arith.constant 0 : i32
      %dma_wait3A_106 = tpu.memref_slice %arg4[%run_scoped3A_25, %mul3A_24, %dma_wait3A_105] : memref<2x1250x128xi32, #tpu.memory_space<hbm>> -> memref<1x39x128xi32, #tpu.memory_space<hbm>>
      %dma_wait3A_107 = tpu.memref_squeeze %dma_wait3A_106 : memref<1x39x128xi32, #tpu.memory_space<hbm>> -> memref<39x128xi32, #tpu.memory_space<hbm>>
      %dma_wait3A_108 = arith.constant 0 : i32
      %dma_wait3A_109 = arith.constant 0 : i32
      %dma_wait3A_110 = tpu.memref_slice %arg7[%dma_wait3A_108, %dma_wait3A_109] : memref<40x128xi32, #tpu.memory_space<vmem>> -> memref<39x128xi32, #tpu.memory_space<vmem>>
      %dma_wait3A_111 = arith.constant 0 : i32
      %dma_wait3A_112 = tpu.memref_slice %arg4[%run_scoped3A_25, %mul3A_24, %dma_wait3A_111] : memref<2x1250x128xi32, #tpu.memory_space<hbm>> -> memref<1x39x128xi32, #tpu.memory_space<hbm>>
      %dma_wait3A_113 = tpu.memref_squeeze %dma_wait3A_112 : memref<1x39x128xi32, #tpu.memory_space<hbm>> -> memref<39x128xi32, #tpu.memory_space<hbm>>
      tpu.wait_dma2 semaphore(%run_scoped3A_89 : memref<!tpu.dma_semaphore, #tpu.memory_space<semaphore_mem>>) src(%dma_wait3A_113 : memref<39x128xi32, #tpu.memory_space<hbm>>) dst(%dma_wait3A_110 : memref<39x128xi32, #tpu.memory_space<vmem>>)
      tpu.yield
    }) : () -> ()
    %lt3A = arith.constant 2 : i32
    %lt3A_26 = arith.cmpi slt, %add3A, %lt3A : i32
    %convert_element_type3A_27 = arith.extui %lt3A_26 : i1 to i32
    %cond3A_28 = arith.constant 0 : i32
    %cond3A_29 = arith.cmpi ne, %convert_element_type3A_27, %cond3A_28 : i32
    scf.if %cond3A_29 {
      %add3A_89 = arith.constant 1248 : i32
      %add3A_90 = arith.addi %add3A_89, %add3A : i32
      %run_scoped3A_91 = arith.constant 0 : i32
      "tpu.region"() ({
        %run_scoped3A_93 = tpu.sem_alloc : memref<!tpu.dma_semaphore, #tpu.memory_space<semaphore_mem>>
        %dma_start3A_94 = arith.constant 39 : i32
        %dma_start3A_95 = arith.constant 0 : i32
        %dma_start3A_96 = tpu.memref_slice %arg6[%dma_start3A_94, %dma_start3A_95] : memref<40x128xi32, #tpu.memory_space<vmem>> -> memref<1x128xi32, #tpu.memory_space<vmem>>
        %dma_start3A_97 = arith.constant 0 : i32
        %dma_start3A_98 = tpu.memref_slice %arg4[%run_scoped3A_91, %add3A_90, %dma_start3A_97] : memref<2x1250x128xi32, #tpu.memory_space<hbm>> -> memref<1x1x128xi32, #tpu.memory_space<hbm>>
        %dma_start3A_99 = tpu.memref_squeeze %dma_start3A_98 : memref<1x1x128xi32, #tpu.memory_space<hbm>> -> memref<1x128xi32, #tpu.memory_space<hbm>>
        %dma_start3A_100 = arith.constant 39 : i32
        %dma_start3A_101 = arith.constant 0 : i32
        %dma_start3A_102 = tpu.memref_slice %arg6[%dma_start3A_100, %dma_start3A_101] : memref<40x128xi32, #tpu.memory_space<vmem>> -> memref<1x128xi32, #tpu.memory_space<vmem>>
        %dma_start3A_103 = arith.constant 0 : i32
        %dma_start3A_104 = tpu.memref_slice %arg4[%run_scoped3A_91, %add3A_90, %dma_start3A_103] : memref<2x1250x128xi32, #tpu.memory_space<hbm>> -> memref<1x1x128xi32, #tpu.memory_space<hbm>>
        %dma_start3A_105 = tpu.memref_squeeze %dma_start3A_104 : memref<1x1x128xi32, #tpu.memory_space<hbm>> -> memref<1x128xi32, #tpu.memory_space<hbm>>
        tpu.enqueue_dma source(%dma_start3A_105 : memref<1x128xi32, #tpu.memory_space<hbm>>) target(%dma_start3A_102 : memref<1x128xi32, #tpu.memory_space<vmem>>) target_semaphore(%run_scoped3A_93 : memref<!tpu.dma_semaphore, #tpu.memory_space<semaphore_mem>>)
        %dma_wait3A_106 = arith.constant 39 : i32
        %dma_wait3A_107 = arith.constant 0 : i32
        %dma_wait3A_108 = tpu.memref_slice %arg6[%dma_wait3A_106, %dma_wait3A_107] : memref<40x128xi32, #tpu.memory_space<vmem>> -> memref<1x128xi32, #tpu.memory_space<vmem>>
        %dma_wait3A_109 = arith.constant 0 : i32
        %dma_wait3A_110 = tpu.memref_slice %arg4[%run_scoped3A_91, %add3A_90, %dma_wait3A_109] : memref<2x1250x128xi32, #tpu.memory_space<hbm>> -> memref<1x1x128xi32, #tpu.memory_space<hbm>>
        %dma_wait3A_111 = tpu.memref_squeeze %dma_wait3A_110 : memref<1x1x128xi32, #tpu.memory_space<hbm>> -> memref<1x128xi32, #tpu.memory_space<hbm>>
        %dma_wait3A_112 = arith.constant 39 : i32
        %dma_wait3A_113 = arith.constant 0 : i32
        %dma_wait3A_114 = tpu.memref_slice %arg6[%dma_wait3A_112, %dma_wait3A_113] : memref<40x128xi32, #tpu.memory_space<vmem>> -> memref<1x128xi32, #tpu.memory_space<vmem>>
        %dma_wait3A_115 = arith.constant 0 : i32
        %dma_wait3A_116 = tpu.memref_slice %arg4[%run_scoped3A_91, %add3A_90, %dma_wait3A_115] : memref<2x1250x128xi32, #tpu.memory_space<hbm>> -> memref<1x1x128xi32, #tpu.memory_space<hbm>>
        %dma_wait3A_117 = tpu.memref_squeeze %dma_wait3A_116 : memref<1x1x128xi32, #tpu.memory_space<hbm>> -> memref<1x128xi32, #tpu.memory_space<hbm>>
        tpu.wait_dma2 semaphore(%run_scoped3A_93 : memref<!tpu.dma_semaphore, #tpu.memory_space<semaphore_mem>>) src(%dma_wait3A_117 : memref<1x128xi32, #tpu.memory_space<hbm>>) dst(%dma_wait3A_114 : memref<1x128xi32, #tpu.memory_space<vmem>>)
        tpu.yield
      }) : () -> ()
      %run_scoped3A_92 = arith.constant 1 : i32
      "tpu.region"() ({
        %run_scoped3A_93 = tpu.sem_alloc : memref<!tpu.dma_semaphore, #tpu.memory_space<semaphore_mem>>
        %dma_start3A_94 = arith.constant 39 : i32
        %dma_start3A_95 = arith.constant 0 : i32
        %dma_start3A_96 = tpu.memref_slice %arg7[%dma_start3A_94, %dma_start3A_95] : memref<40x128xi32, #tpu.memory_space<vmem>> -> memref<1x128xi32, #tpu.memory_space<vmem>>
        %dma_start3A_97 = arith.constant 0 : i32
        %dma_start3A_98 = tpu.memref_slice %arg4[%run_scoped3A_92, %add3A_90, %dma_start3A_97] : memref<2x1250x128xi32, #tpu.memory_space<hbm>> -> memref<1x1x128xi32, #tpu.memory_space<hbm>>
        %dma_start3A_99 = tpu.memref_squeeze %dma_start3A_98 : memref<1x1x128xi32, #tpu.memory_space<hbm>> -> memref<1x128xi32, #tpu.memory_space<hbm>>
        %dma_start3A_100 = arith.constant 39 : i32
        %dma_start3A_101 = arith.constant 0 : i32
        %dma_start3A_102 = tpu.memref_slice %arg7[%dma_start3A_100, %dma_start3A_101] : memref<40x128xi32, #tpu.memory_space<vmem>> -> memref<1x128xi32, #tpu.memory_space<vmem>>
        %dma_start3A_103 = arith.constant 0 : i32
        %dma_start3A_104 = tpu.memref_slice %arg4[%run_scoped3A_92, %add3A_90, %dma_start3A_103] : memref<2x1250x128xi32, #tpu.memory_space<hbm>> -> memref<1x1x128xi32, #tpu.memory_space<hbm>>
        %dma_start3A_105 = tpu.memref_squeeze %dma_start3A_104 : memref<1x1x128xi32, #tpu.memory_space<hbm>> -> memref<1x128xi32, #tpu.memory_space<hbm>>
        tpu.enqueue_dma source(%dma_start3A_105 : memref<1x128xi32, #tpu.memory_space<hbm>>) target(%dma_start3A_102 : memref<1x128xi32, #tpu.memory_space<vmem>>) target_semaphore(%run_scoped3A_93 : memref<!tpu.dma_semaphore, #tpu.memory_space<semaphore_mem>>)
        %dma_wait3A_106 = arith.constant 39 : i32
        %dma_wait3A_107 = arith.constant 0 : i32
        %dma_wait3A_108 = tpu.memref_slice %arg7[%dma_wait3A_106, %dma_wait3A_107] : memref<40x128xi32, #tpu.memory_space<vmem>> -> memref<1x128xi32, #tpu.memory_space<vmem>>
        %dma_wait3A_109 = arith.constant 0 : i32
        %dma_wait3A_110 = tpu.memref_slice %arg4[%run_scoped3A_92, %add3A_90, %dma_wait3A_109] : memref<2x1250x128xi32, #tpu.memory_space<hbm>> -> memref<1x1x128xi32, #tpu.memory_space<hbm>>
        %dma_wait3A_111 = tpu.memref_squeeze %dma_wait3A_110 : memref<1x1x128xi32, #tpu.memory_space<hbm>> -> memref<1x128xi32, #tpu.memory_space<hbm>>
        %dma_wait3A_112 = arith.constant 39 : i32
        %dma_wait3A_113 = arith.constant 0 : i32
        %dma_wait3A_114 = tpu.memref_slice %arg7[%dma_wait3A_112, %dma_wait3A_113] : memref<40x128xi32, #tpu.memory_space<vmem>> -> memref<1x128xi32, #tpu.memory_space<vmem>>
        %dma_wait3A_115 = arith.constant 0 : i32
        %dma_wait3A_116 = tpu.memref_slice %arg4[%run_scoped3A_92, %add3A_90, %dma_wait3A_115] : memref<2x1250x128xi32, #tpu.memory_space<hbm>> -> memref<1x1x128xi32, #tpu.memory_space<hbm>>
        %dma_wait3A_117 = tpu.memref_squeeze %dma_wait3A_116 : memref<1x1x128xi32, #tpu.memory_space<hbm>> -> memref<1x128xi32, #tpu.memory_space<hbm>>
        tpu.wait_dma2 semaphore(%run_scoped3A_93 : memref<!tpu.dma_semaphore, #tpu.memory_space<semaphore_mem>>) src(%dma_wait3A_117 : memref<1x128xi32, #tpu.memory_space<hbm>>) dst(%dma_wait3A_114 : memref<1x128xi32, #tpu.memory_space<vmem>>)
        tpu.yield
      }) : () -> ()
    } else {
    }
    %barrier3A = arith.constant 0 : index
    tpu.barrier barrier_id(%barrier3A)
    %scan3A_30 = arith.constant 0 : i32
    %scan3A_31 = arith.constant 0 : i32
    %scan3A_32 = arith.constant 9 : i32
    %scan3A_33 = arith.addi %scan3A_31, %scan3A_32 : i32
    %scan3A_34 = arith.constant 1 : i32
    scf.for %scan3A_89 = %scan3A_31 to %scan3A_33 step %scan3A_34  : i32 {
      %mul3A_90 = arith.constant 4 : i32
      %mul3A_91 = arith.muli %scan3A_89, %mul3A_90 : i32
      %add3A_92 = arith.constant 0 : i32
      %add3A_93 = arith.addi %mul3A_91, %add3A_92 : i32
      %dma_start3A_94 = arith.constant 0 : i32
      %dma_start3A_95 = tpu.memref_slice %arg6[%add3A_93, %dma_start3A_94] : memref<40x128xi32, #tpu.memory_space<vmem>> -> memref<1x128xi32, #tpu.memory_space<vmem>>
      %dma_start3A_96 = tpu.memref_squeeze %dma_start3A_95 : memref<1x128xi32, #tpu.memory_space<vmem>> -> memref<128xi32, #tpu.memory_space<vmem>>
      %dma_start3A_97 = arith.constant 0 : i32
      %dma_start3A_98 = arith.constant 0 : i32
      %dma_start3A_99 = tpu.memref_slice %arg14[%dma_start3A_97, %dma_start3A_98] : memref<10000x32xf32, #tpu.memory_space<vmem_shared>> -> memref<10000x32xf32, #tpu.memory_space<vmem_shared>>
      tpu.enqueue_indirect_dma source(%dma_start3A_99 : memref<10000x32xf32, #tpu.memory_space<vmem_shared>>) target(%arg8 : memref<128x32xf32, #tpu.memory_space<vmem>>) offsets(%dma_start3A_96 : memref<128xi32, #tpu.memory_space<vmem>>) semaphore(%arg16 : memref<!tpu.dma_semaphore, #tpu.memory_space<semaphore_mem>>)
      %mul3A_100 = arith.constant 4 : i32
      %mul3A_101 = arith.muli %scan3A_89, %mul3A_100 : i32
      %add3A_102 = arith.constant 1 : i32
      %add3A_103 = arith.addi %mul3A_101, %add3A_102 : i32
      %dma_start3A_104 = arith.constant 0 : i32
      %dma_start3A_105 = tpu.memref_slice %arg6[%add3A_103, %dma_start3A_104] : memref<40x128xi32, #tpu.memory_space<vmem>> -> memref<1x128xi32, #tpu.memory_space<vmem>>
      %dma_start3A_106 = tpu.memref_squeeze %dma_start3A_105 : memref<1x128xi32, #tpu.memory_space<vmem>> -> memref<128xi32, #tpu.memory_space<vmem>>
      %dma_start3A_107 = arith.constant 0 : i32
      %dma_start3A_108 = arith.constant 0 : i32
      %dma_start3A_109 = tpu.memref_slice %arg14[%dma_start3A_107, %dma_start3A_108] : memref<10000x32xf32, #tpu.memory_space<vmem_shared>> -> memref<10000x32xf32, #tpu.memory_space<vmem_shared>>
      tpu.enqueue_indirect_dma source(%dma_start3A_109 : memref<10000x32xf32, #tpu.memory_space<vmem_shared>>) target(%arg9 : memref<128x32xf32, #tpu.memory_space<vmem>>) offsets(%dma_start3A_106 : memref<128xi32, #tpu.memory_space<vmem>>) semaphore(%arg17 : memref<!tpu.dma_semaphore, #tpu.memory_space<semaphore_mem>>)
      %mul3A_110 = arith.constant 4 : i32
      %mul3A_111 = arith.muli %scan3A_89, %mul3A_110 : i32
      %add3A_112 = arith.constant 2 : i32
      %add3A_113 = arith.addi %mul3A_111, %add3A_112 : i32
      %dma_start3A_114 = arith.constant 0 : i32
      %dma_start3A_115 = tpu.memref_slice %arg6[%add3A_113, %dma_start3A_114] : memref<40x128xi32, #tpu.memory_space<vmem>> -> memref<1x128xi32, #tpu.memory_space<vmem>>
      %dma_start3A_116 = tpu.memref_squeeze %dma_start3A_115 : memref<1x128xi32, #tpu.memory_space<vmem>> -> memref<128xi32, #tpu.memory_space<vmem>>
      %dma_start3A_117 = arith.constant 0 : i32
      %dma_start3A_118 = arith.constant 0 : i32
      %dma_start3A_119 = tpu.memref_slice %arg14[%dma_start3A_117, %dma_start3A_118] : memref<10000x32xf32, #tpu.memory_space<vmem_shared>> -> memref<10000x32xf32, #tpu.memory_space<vmem_shared>>
      tpu.enqueue_indirect_dma source(%dma_start3A_119 : memref<10000x32xf32, #tpu.memory_space<vmem_shared>>) target(%arg10 : memref<128x32xf32, #tpu.memory_space<vmem>>) offsets(%dma_start3A_116 : memref<128xi32, #tpu.memory_space<vmem>>) semaphore(%arg18 : memref<!tpu.dma_semaphore, #tpu.memory_space<semaphore_mem>>)
      %mul3A_120 = arith.constant 4 : i32
      %mul3A_121 = arith.muli %scan3A_89, %mul3A_120 : i32
      %add3A_122 = arith.constant 3 : i32
      %add3A_123 = arith.addi %mul3A_121, %add3A_122 : i32
      %dma_start3A_124 = arith.constant 0 : i32
      %dma_start3A_125 = tpu.memref_slice %arg6[%add3A_123, %dma_start3A_124] : memref<40x128xi32, #tpu.memory_space<vmem>> -> memref<1x128xi32, #tpu.memory_space<vmem>>
      %dma_start3A_126 = tpu.memref_squeeze %dma_start3A_125 : memref<1x128xi32, #tpu.memory_space<vmem>> -> memref<128xi32, #tpu.memory_space<vmem>>
      %dma_start3A_127 = arith.constant 0 : i32
      %dma_start3A_128 = arith.constant 0 : i32
      %dma_start3A_129 = tpu.memref_slice %arg14[%dma_start3A_127, %dma_start3A_128] : memref<10000x32xf32, #tpu.memory_space<vmem_shared>> -> memref<10000x32xf32, #tpu.memory_space<vmem_shared>>
      tpu.enqueue_indirect_dma source(%dma_start3A_129 : memref<10000x32xf32, #tpu.memory_space<vmem_shared>>) target(%arg11 : memref<128x32xf32, #tpu.memory_space<vmem>>) offsets(%dma_start3A_126 : memref<128xi32, #tpu.memory_space<vmem>>) semaphore(%arg19 : memref<!tpu.dma_semaphore, #tpu.memory_space<semaphore_mem>>)
      %mul3A_130 = arith.constant 4 : i32
      %mul3A_131 = arith.muli %scan3A_89, %mul3A_130 : i32
      %add3A_132 = arith.constant 0 : i32
      %add3A_133 = arith.addi %mul3A_131, %add3A_132 : i32
      %dma_wait3A_134 = arith.constant 0 : i32
      %dma_wait3A_135 = tpu.memref_slice %arg6[%add3A_93, %dma_wait3A_134] : memref<40x128xi32, #tpu.memory_space<vmem>> -> memref<1x128xi32, #tpu.memory_space<vmem>>
      %dma_wait3A_136 = tpu.memref_squeeze %dma_wait3A_135 : memref<1x128xi32, #tpu.memory_space<vmem>> -> memref<128xi32, #tpu.memory_space<vmem>>
      %dma_wait3A_137 = arith.constant 0 : i32
      %dma_wait3A_138 = arith.constant 0 : i32
      %dma_wait3A_139 = tpu.memref_slice %arg14[%dma_wait3A_137, %dma_wait3A_138] : memref<10000x32xf32, #tpu.memory_space<vmem_shared>> -> memref<10000x32xf32, #tpu.memory_space<vmem_shared>>
      tpu.wait_indirect_dma semaphore(%arg16 : memref<!tpu.dma_semaphore, #tpu.memory_space<semaphore_mem>>) src(%dma_wait3A_139 : memref<10000x32xf32, #tpu.memory_space<vmem_shared>>) dst(%arg8 : memref<128x32xf32, #tpu.memory_space<vmem>>)
      "tpu.region"() ({
        %run_scoped3A_170 = tpu.sem_alloc : memref<!tpu.dma_semaphore, #tpu.memory_space<semaphore_mem>>
        %dma_start3A_171 = arith.constant 0 : i32
        %dma_start3A_172 = tpu.memref_slice %arg7[%add3A_133, %dma_start3A_171] : memref<40x128xi32, #tpu.memory_space<vmem>> -> memref<1x128xi32, #tpu.memory_space<vmem>>
        %dma_start3A_173 = tpu.memref_squeeze %dma_start3A_172 : memref<1x128xi32, #tpu.memory_space<vmem>> -> memref<128xi32, #tpu.memory_space<vmem>>
        %dma_start3A_174 = arith.constant 0 : i32
        %dma_start3A_175 = arith.constant 0 : i32
        %dma_start3A_176 = tpu.memref_slice %arg15[%dma_start3A_174, %dma_start3A_175] : memref<10000x32xf32, #tpu.memory_space<vmem_shared>> -> memref<10000x32xf32, #tpu.memory_space<vmem_shared>>
        tpu.enqueue_indirect_dma source(%arg8 : memref<128x32xf32, #tpu.memory_space<vmem>>) target(%dma_start3A_176 : memref<10000x32xf32, #tpu.memory_space<vmem_shared>>) offsets(%dma_start3A_173 : memref<128xi32, #tpu.memory_space<vmem>>) semaphore(%run_scoped3A_170 : memref<!tpu.dma_semaphore, #tpu.memory_space<semaphore_mem>>) {add = true}
        %dma_wait3A_177 = arith.constant 0 : i32
        %dma_wait3A_178 = tpu.memref_slice %arg7[%add3A_133, %dma_wait3A_177] : memref<40x128xi32, #tpu.memory_space<vmem>> -> memref<1x128xi32, #tpu.memory_space<vmem>>
        %dma_wait3A_179 = tpu.memref_squeeze %dma_wait3A_178 : memref<1x128xi32, #tpu.memory_space<vmem>> -> memref<128xi32, #tpu.memory_space<vmem>>
        %dma_wait3A_180 = arith.constant 0 : i32
        %dma_wait3A_181 = arith.constant 0 : i32
        %dma_wait3A_182 = tpu.memref_slice %arg15[%dma_wait3A_180, %dma_wait3A_181] : memref<10000x32xf32, #tpu.memory_space<vmem_shared>> -> memref<10000x32xf32, #tpu.memory_space<vmem_shared>>
        tpu.wait_indirect_dma semaphore(%run_scoped3A_170 : memref<!tpu.dma_semaphore, #tpu.memory_space<semaphore_mem>>) src(%arg8 : memref<128x32xf32, #tpu.memory_space<vmem>>) dst(%dma_wait3A_182 : memref<10000x32xf32, #tpu.memory_space<vmem_shared>>)
        tpu.yield
      }) : () -> ()
      %mul3A_140 = arith.constant 4 : i32
      %mul3A_141 = arith.muli %scan3A_89, %mul3A_140 : i32
      %add3A_142 = arith.constant 1 : i32
      %add3A_143 = arith.addi %mul3A_141, %add3A_142 : i32
      %dma_wait3A_144 = arith.constant 0 : i32
      %dma_wait3A_145 = tpu.memref_slice %arg6[%add3A_103, %dma_wait3A_144] : memref<40x128xi32, #tpu.memory_space<vmem>> -> memref<1x128xi32, #tpu.memory_space<vmem>>
      %dma_wait3A_146 = tpu.memref_squeeze %dma_wait3A_145 : memref<1x128xi32, #tpu.memory_space<vmem>> -> memref<128xi32, #tpu.memory_space<vmem>>
      %dma_wait3A_147 = arith.constant 0 : i32
      %dma_wait3A_148 = arith.constant 0 : i32
      %dma_wait3A_149 = tpu.memref_slice %arg14[%dma_wait3A_147, %dma_wait3A_148] : memref<10000x32xf32, #tpu.memory_space<vmem_shared>> -> memref<10000x32xf32, #tpu.memory_space<vmem_shared>>
      tpu.wait_indirect_dma semaphore(%arg17 : memref<!tpu.dma_semaphore, #tpu.memory_space<semaphore_mem>>) src(%dma_wait3A_149 : memref<10000x32xf32, #tpu.memory_space<vmem_shared>>) dst(%arg9 : memref<128x32xf32, #tpu.memory_space<vmem>>)
      "tpu.region"() ({
        %run_scoped3A_170 = tpu.sem_alloc : memref<!tpu.dma_semaphore, #tpu.memory_space<semaphore_mem>>
        %dma_start3A_171 = arith.constant 0 : i32
        %dma_start3A_172 = tpu.memref_slice %arg7[%add3A_143, %dma_start3A_171] : memref<40x128xi32, #tpu.memory_space<vmem>> -> memref<1x128xi32, #tpu.memory_space<vmem>>
        %dma_start3A_173 = tpu.memref_squeeze %dma_start3A_172 : memref<1x128xi32, #tpu.memory_space<vmem>> -> memref<128xi32, #tpu.memory_space<vmem>>
        %dma_start3A_174 = arith.constant 0 : i32
        %dma_start3A_175 = arith.constant 0 : i32
        %dma_start3A_176 = tpu.memref_slice %arg15[%dma_start3A_174, %dma_start3A_175] : memref<10000x32xf32, #tpu.memory_space<vmem_shared>> -> memref<10000x32xf32, #tpu.memory_space<vmem_shared>>
        tpu.enqueue_indirect_dma source(%arg9 : memref<128x32xf32, #tpu.memory_space<vmem>>) target(%dma_start3A_176 : memref<10000x32xf32, #tpu.memory_space<vmem_shared>>) offsets(%dma_start3A_173 : memref<128xi32, #tpu.memory_space<vmem>>) semaphore(%run_scoped3A_170 : memref<!tpu.dma_semaphore, #tpu.memory_space<semaphore_mem>>) {add = true}
        %dma_wait3A_177 = arith.constant 0 : i32
        %dma_wait3A_178 = tpu.memref_slice %arg7[%add3A_143, %dma_wait3A_177] : memref<40x128xi32, #tpu.memory_space<vmem>> -> memref<1x128xi32, #tpu.memory_space<vmem>>
        %dma_wait3A_179 = tpu.memref_squeeze %dma_wait3A_178 : memref<1x128xi32, #tpu.memory_space<vmem>> -> memref<128xi32, #tpu.memory_space<vmem>>
        %dma_wait3A_180 = arith.constant 0 : i32
        %dma_wait3A_181 = arith.constant 0 : i32
        %dma_wait3A_182 = tpu.memref_slice %arg15[%dma_wait3A_180, %dma_wait3A_181] : memref<10000x32xf32, #tpu.memory_space<vmem_shared>> -> memref<10000x32xf32, #tpu.memory_space<vmem_shared>>
        tpu.wait_indirect_dma semaphore(%run_scoped3A_170 : memref<!tpu.dma_semaphore, #tpu.memory_space<semaphore_mem>>) src(%arg9 : memref<128x32xf32, #tpu.memory_space<vmem>>) dst(%dma_wait3A_182 : memref<10000x32xf32, #tpu.memory_space<vmem_shared>>)
        tpu.yield
      }) : () -> ()
      %mul3A_150 = arith.constant 4 : i32
      %mul3A_151 = arith.muli %scan3A_89, %mul3A_150 : i32
      %add3A_152 = arith.constant 2 : i32
      %add3A_153 = arith.addi %mul3A_151, %add3A_152 : i32
      %dma_wait3A_154 = arith.constant 0 : i32
      %dma_wait3A_155 = tpu.memref_slice %arg6[%add3A_113, %dma_wait3A_154] : memref<40x128xi32, #tpu.memory_space<vmem>> -> memref<1x128xi32, #tpu.memory_space<vmem>>
      %dma_wait3A_156 = tpu.memref_squeeze %dma_wait3A_155 : memref<1x128xi32, #tpu.memory_space<vmem>> -> memref<128xi32, #tpu.memory_space<vmem>>
      %dma_wait3A_157 = arith.constant 0 : i32
      %dma_wait3A_158 = arith.constant 0 : i32
      %dma_wait3A_159 = tpu.memref_slice %arg14[%dma_wait3A_157, %dma_wait3A_158] : memref<10000x32xf32, #tpu.memory_space<vmem_shared>> -> memref<10000x32xf32, #tpu.memory_space<vmem_shared>>
      tpu.wait_indirect_dma semaphore(%arg18 : memref<!tpu.dma_semaphore, #tpu.memory_space<semaphore_mem>>) src(%dma_wait3A_159 : memref<10000x32xf32, #tpu.memory_space<vmem_shared>>) dst(%arg10 : memref<128x32xf32, #tpu.memory_space<vmem>>)
      "tpu.region"() ({
        %run_scoped3A_170 = tpu.sem_alloc : memref<!tpu.dma_semaphore, #tpu.memory_space<semaphore_mem>>
        %dma_start3A_171 = arith.constant 0 : i32
        %dma_start3A_172 = tpu.memref_slice %arg7[%add3A_153, %dma_start3A_171] : memref<40x128xi32, #tpu.memory_space<vmem>> -> memref<1x128xi32, #tpu.memory_space<vmem>>
        %dma_start3A_173 = tpu.memref_squeeze %dma_start3A_172 : memref<1x128xi32, #tpu.memory_space<vmem>> -> memref<128xi32, #tpu.memory_space<vmem>>
        %dma_start3A_174 = arith.constant 0 : i32
        %dma_start3A_175 = arith.constant 0 : i32
        %dma_start3A_176 = tpu.memref_slice %arg15[%dma_start3A_174, %dma_start3A_175] : memref<10000x32xf32, #tpu.memory_space<vmem_shared>> -> memref<10000x32xf32, #tpu.memory_space<vmem_shared>>
        tpu.enqueue_indirect_dma source(%arg10 : memref<128x32xf32, #tpu.memory_space<vmem>>) target(%dma_start3A_176 : memref<10000x32xf32, #tpu.memory_space<vmem_shared>>) offsets(%dma_start3A_173 : memref<128xi32, #tpu.memory_space<vmem>>) semaphore(%run_scoped3A_170 : memref<!tpu.dma_semaphore, #tpu.memory_space<semaphore_mem>>) {add = true}
        %dma_wait3A_177 = arith.constant 0 : i32
        %dma_wait3A_178 = tpu.memref_slice %arg7[%add3A_153, %dma_wait3A_177] : memref<40x128xi32, #tpu.memory_space<vmem>> -> memref<1x128xi32, #tpu.memory_space<vmem>>
        %dma_wait3A_179 = tpu.memref_squeeze %dma_wait3A_178 : memref<1x128xi32, #tpu.memory_space<vmem>> -> memref<128xi32, #tpu.memory_space<vmem>>
        %dma_wait3A_180 = arith.constant 0 : i32
        %dma_wait3A_181 = arith.constant 0 : i32
        %dma_wait3A_182 = tpu.memref_slice %arg15[%dma_wait3A_180, %dma_wait3A_181] : memref<10000x32xf32, #tpu.memory_space<vmem_shared>> -> memref<10000x32xf32, #tpu.memory_space<vmem_shared>>
        tpu.wait_indirect_dma semaphore(%run_scoped3A_170 : memref<!tpu.dma_semaphore, #tpu.memory_space<semaphore_mem>>) src(%arg10 : memref<128x32xf32, #tpu.memory_space<vmem>>) dst(%dma_wait3A_182 : memref<10000x32xf32, #tpu.memory_space<vmem_shared>>)
        tpu.yield
      }) : () -> ()
      %mul3A_160 = arith.constant 4 : i32
      %mul3A_161 = arith.muli %scan3A_89, %mul3A_160 : i32
      %add3A_162 = arith.constant 3 : i32
      %add3A_163 = arith.addi %mul3A_161, %add3A_162 : i32
      %dma_wait3A_164 = arith.constant 0 : i32
      %dma_wait3A_165 = tpu.memref_slice %arg6[%add3A_123, %dma_wait3A_164] : memref<40x128xi32, #tpu.memory_space<vmem>> -> memref<1x128xi32, #tpu.memory_space<vmem>>
      %dma_wait3A_166 = tpu.memref_squeeze %dma_wait3A_165 : memref<1x128xi32, #tpu.memory_space<vmem>> -> memref<128xi32, #tpu.memory_space<vmem>>
      %dma_wait3A_167 = arith.constant 0 : i32
      %dma_wait3A_168 = arith.constant 0 : i32
      %dma_wait3A_169 = tpu.memref_slice %arg14[%dma_wait3A_167, %dma_wait3A_168] : memref<10000x32xf32, #tpu.memory_space<vmem_shared>> -> memref<10000x32xf32, #tpu.memory_space<vmem_shared>>
      tpu.wait_indirect_dma semaphore(%arg19 : memref<!tpu.dma_semaphore, #tpu.memory_space<semaphore_mem>>) src(%dma_wait3A_169 : memref<10000x32xf32, #tpu.memory_space<vmem_shared>>) dst(%arg11 : memref<128x32xf32, #tpu.memory_space<vmem>>)
      "tpu.region"() ({
        %run_scoped3A_170 = tpu.sem_alloc : memref<!tpu.dma_semaphore, #tpu.memory_space<semaphore_mem>>
        %dma_start3A_171 = arith.constant 0 : i32
        %dma_start3A_172 = tpu.memref_slice %arg7[%add3A_163, %dma_start3A_171] : memref<40x128xi32, #tpu.memory_space<vmem>> -> memref<1x128xi32, #tpu.memory_space<vmem>>
        %dma_start3A_173 = tpu.memref_squeeze %dma_start3A_172 : memref<1x128xi32, #tpu.memory_space<vmem>> -> memref<128xi32, #tpu.memory_space<vmem>>
        %dma_start3A_174 = arith.constant 0 : i32
        %dma_start3A_175 = arith.constant 0 : i32
        %dma_start3A_176 = tpu.memref_slice %arg15[%dma_start3A_174, %dma_start3A_175] : memref<10000x32xf32, #tpu.memory_space<vmem_shared>> -> memref<10000x32xf32, #tpu.memory_space<vmem_shared>>
        tpu.enqueue_indirect_dma source(%arg11 : memref<128x32xf32, #tpu.memory_space<vmem>>) target(%dma_start3A_176 : memref<10000x32xf32, #tpu.memory_space<vmem_shared>>) offsets(%dma_start3A_173 : memref<128xi32, #tpu.memory_space<vmem>>) semaphore(%run_scoped3A_170 : memref<!tpu.dma_semaphore, #tpu.memory_space<semaphore_mem>>) {add = true}
        %dma_wait3A_177 = arith.constant 0 : i32
        %dma_wait3A_178 = tpu.memref_slice %arg7[%add3A_163, %dma_wait3A_177] : memref<40x128xi32, #tpu.memory_space<vmem>> -> memref<1x128xi32, #tpu.memory_space<vmem>>
        %dma_wait3A_179 = tpu.memref_squeeze %dma_wait3A_178 : memref<1x128xi32, #tpu.memory_space<vmem>> -> memref<128xi32, #tpu.memory_space<vmem>>
        %dma_wait3A_180 = arith.constant 0 : i32
        %dma_wait3A_181 = arith.constant 0 : i32
        %dma_wait3A_182 = tpu.memref_slice %arg15[%dma_wait3A_180, %dma_wait3A_181] : memref<10000x32xf32, #tpu.memory_space<vmem_shared>> -> memref<10000x32xf32, #tpu.memory_space<vmem_shared>>
        tpu.wait_indirect_dma semaphore(%run_scoped3A_170 : memref<!tpu.dma_semaphore, #tpu.memory_space<semaphore_mem>>) src(%arg11 : memref<128x32xf32, #tpu.memory_space<vmem>>) dst(%dma_wait3A_182 : memref<10000x32xf32, #tpu.memory_space<vmem_shared>>)
        tpu.yield
      }) : () -> ()
    }
    %scan3A_35 = arith.constant 9 : i32
    %dma_start3A = arith.constant 36 : i32
    %dma_start3A_36 = arith.constant 0 : i32
    %dma_start3A_37 = tpu.memref_slice %arg6[%dma_start3A, %dma_start3A_36] : memref<40x128xi32, #tpu.memory_space<vmem>> -> memref<1x128xi32, #tpu.memory_space<vmem>>
    %dma_start3A_38 = tpu.memref_squeeze %dma_start3A_37 : memref<1x128xi32, #tpu.memory_space<vmem>> -> memref<128xi32, #tpu.memory_space<vmem>>
    %dma_start3A_39 = arith.constant 0 : i32
    %dma_start3A_40 = arith.constant 0 : i32
    %dma_start3A_41 = tpu.memref_slice %arg14[%dma_start3A_39, %dma_start3A_40] : memref<10000x32xf32, #tpu.memory_space<vmem_shared>> -> memref<10000x32xf32, #tpu.memory_space<vmem_shared>>
    tpu.enqueue_indirect_dma source(%dma_start3A_41 : memref<10000x32xf32, #tpu.memory_space<vmem_shared>>) target(%arg8 : memref<128x32xf32, #tpu.memory_space<vmem>>) offsets(%dma_start3A_38 : memref<128xi32, #tpu.memory_space<vmem>>) semaphore(%arg16 : memref<!tpu.dma_semaphore, #tpu.memory_space<semaphore_mem>>)
    %dma_wait3A = arith.constant 36 : i32
    %dma_wait3A_42 = arith.constant 0 : i32
    %dma_wait3A_43 = tpu.memref_slice %arg6[%dma_wait3A, %dma_wait3A_42] : memref<40x128xi32, #tpu.memory_space<vmem>> -> memref<1x128xi32, #tpu.memory_space<vmem>>
    %dma_wait3A_44 = tpu.memref_squeeze %dma_wait3A_43 : memref<1x128xi32, #tpu.memory_space<vmem>> -> memref<128xi32, #tpu.memory_space<vmem>>
    %dma_wait3A_45 = arith.constant 0 : i32
    %dma_wait3A_46 = arith.constant 0 : i32
    %dma_wait3A_47 = tpu.memref_slice %arg14[%dma_wait3A_45, %dma_wait3A_46] : memref<10000x32xf32, #tpu.memory_space<vmem_shared>> -> memref<10000x32xf32, #tpu.memory_space<vmem_shared>>
    tpu.wait_indirect_dma semaphore(%arg16 : memref<!tpu.dma_semaphore, #tpu.memory_space<semaphore_mem>>) src(%dma_wait3A_47 : memref<10000x32xf32, #tpu.memory_space<vmem_shared>>) dst(%arg8 : memref<128x32xf32, #tpu.memory_space<vmem>>)
    %run_scoped3A_48 = arith.constant 36 : i32
    "tpu.region"() ({
      %run_scoped3A_89 = tpu.sem_alloc : memref<!tpu.dma_semaphore, #tpu.memory_space<semaphore_mem>>
      %dma_start3A_90 = arith.constant 0 : i32
      %dma_start3A_91 = tpu.memref_slice %arg7[%run_scoped3A_48, %dma_start3A_90] : memref<40x128xi32, #tpu.memory_space<vmem>> -> memref<1x128xi32, #tpu.memory_space<vmem>>
      %dma_start3A_92 = tpu.memref_squeeze %dma_start3A_91 : memref<1x128xi32, #tpu.memory_space<vmem>> -> memref<128xi32, #tpu.memory_space<vmem>>
      %dma_start3A_93 = arith.constant 0 : i32
      %dma_start3A_94 = arith.constant 0 : i32
      %dma_start3A_95 = tpu.memref_slice %arg15[%dma_start3A_93, %dma_start3A_94] : memref<10000x32xf32, #tpu.memory_space<vmem_shared>> -> memref<10000x32xf32, #tpu.memory_space<vmem_shared>>
      tpu.enqueue_indirect_dma source(%arg8 : memref<128x32xf32, #tpu.memory_space<vmem>>) target(%dma_start3A_95 : memref<10000x32xf32, #tpu.memory_space<vmem_shared>>) offsets(%dma_start3A_92 : memref<128xi32, #tpu.memory_space<vmem>>) semaphore(%run_scoped3A_89 : memref<!tpu.dma_semaphore, #tpu.memory_space<semaphore_mem>>) {add = true}
      %dma_wait3A_96 = arith.constant 0 : i32
      %dma_wait3A_97 = tpu.memref_slice %arg7[%run_scoped3A_48, %dma_wait3A_96] : memref<40x128xi32, #tpu.memory_space<vmem>> -> memref<1x128xi32, #tpu.memory_space<vmem>>
      %dma_wait3A_98 = tpu.memref_squeeze %dma_wait3A_97 : memref<1x128xi32, #tpu.memory_space<vmem>> -> memref<128xi32, #tpu.memory_space<vmem>>
      %dma_wait3A_99 = arith.constant 0 : i32
      %dma_wait3A_100 = arith.constant 0 : i32
      %dma_wait3A_101 = tpu.memref_slice %arg15[%dma_wait3A_99, %dma_wait3A_100] : memref<10000x32xf32, #tpu.memory_space<vmem_shared>> -> memref<10000x32xf32, #tpu.memory_space<vmem_shared>>
      tpu.wait_indirect_dma semaphore(%run_scoped3A_89 : memref<!tpu.dma_semaphore, #tpu.memory_space<semaphore_mem>>) src(%arg8 : memref<128x32xf32, #tpu.memory_space<vmem>>) dst(%dma_wait3A_101 : memref<10000x32xf32, #tpu.memory_space<vmem_shared>>)
      tpu.yield
    }) : () -> ()
    %dma_start3A_49 = arith.constant 37 : i32
    %dma_start3A_50 = arith.constant 0 : i32
    %dma_start3A_51 = tpu.memref_slice %arg6[%dma_start3A_49, %dma_start3A_50] : memref<40x128xi32, #tpu.memory_space<vmem>> -> memref<1x128xi32, #tpu.memory_space<vmem>>
    %dma_start3A_52 = tpu.memref_squeeze %dma_start3A_51 : memref<1x128xi32, #tpu.memory_space<vmem>> -> memref<128xi32, #tpu.memory_space<vmem>>
    %dma_start3A_53 = arith.constant 0 : i32
    %dma_start3A_54 = arith.constant 0 : i32
    %dma_start3A_55 = tpu.memref_slice %arg14[%dma_start3A_53, %dma_start3A_54] : memref<10000x32xf32, #tpu.memory_space<vmem_shared>> -> memref<10000x32xf32, #tpu.memory_space<vmem_shared>>
    tpu.enqueue_indirect_dma source(%dma_start3A_55 : memref<10000x32xf32, #tpu.memory_space<vmem_shared>>) target(%arg9 : memref<128x32xf32, #tpu.memory_space<vmem>>) offsets(%dma_start3A_52 : memref<128xi32, #tpu.memory_space<vmem>>) semaphore(%arg17 : memref<!tpu.dma_semaphore, #tpu.memory_space<semaphore_mem>>)
    %dma_wait3A_56 = arith.constant 37 : i32
    %dma_wait3A_57 = arith.constant 0 : i32
    %dma_wait3A_58 = tpu.memref_slice %arg6[%dma_wait3A_56, %dma_wait3A_57] : memref<40x128xi32, #tpu.memory_space<vmem>> -> memref<1x128xi32, #tpu.memory_space<vmem>>
    %dma_wait3A_59 = tpu.memref_squeeze %dma_wait3A_58 : memref<1x128xi32, #tpu.memory_space<vmem>> -> memref<128xi32, #tpu.memory_space<vmem>>
    %dma_wait3A_60 = arith.constant 0 : i32
    %dma_wait3A_61 = arith.constant 0 : i32
    %dma_wait3A_62 = tpu.memref_slice %arg14[%dma_wait3A_60, %dma_wait3A_61] : memref<10000x32xf32, #tpu.memory_space<vmem_shared>> -> memref<10000x32xf32, #tpu.memory_space<vmem_shared>>
    tpu.wait_indirect_dma semaphore(%arg17 : memref<!tpu.dma_semaphore, #tpu.memory_space<semaphore_mem>>) src(%dma_wait3A_62 : memref<10000x32xf32, #tpu.memory_space<vmem_shared>>) dst(%arg9 : memref<128x32xf32, #tpu.memory_space<vmem>>)
    %run_scoped3A_63 = arith.constant 37 : i32
    "tpu.region"() ({
      %run_scoped3A_89 = tpu.sem_alloc : memref<!tpu.dma_semaphore, #tpu.memory_space<semaphore_mem>>
      %dma_start3A_90 = arith.constant 0 : i32
      %dma_start3A_91 = tpu.memref_slice %arg7[%run_scoped3A_63, %dma_start3A_90] : memref<40x128xi32, #tpu.memory_space<vmem>> -> memref<1x128xi32, #tpu.memory_space<vmem>>
      %dma_start3A_92 = tpu.memref_squeeze %dma_start3A_91 : memref<1x128xi32, #tpu.memory_space<vmem>> -> memref<128xi32, #tpu.memory_space<vmem>>
      %dma_start3A_93 = arith.constant 0 : i32
      %dma_start3A_94 = arith.constant 0 : i32
      %dma_start3A_95 = tpu.memref_slice %arg15[%dma_start3A_93, %dma_start3A_94] : memref<10000x32xf32, #tpu.memory_space<vmem_shared>> -> memref<10000x32xf32, #tpu.memory_space<vmem_shared>>
      tpu.enqueue_indirect_dma source(%arg9 : memref<128x32xf32, #tpu.memory_space<vmem>>) target(%dma_start3A_95 : memref<10000x32xf32, #tpu.memory_space<vmem_shared>>) offsets(%dma_start3A_92 : memref<128xi32, #tpu.memory_space<vmem>>) semaphore(%run_scoped3A_89 : memref<!tpu.dma_semaphore, #tpu.memory_space<semaphore_mem>>) {add = true}
      %dma_wait3A_96 = arith.constant 0 : i32
      %dma_wait3A_97 = tpu.memref_slice %arg7[%run_scoped3A_63, %dma_wait3A_96] : memref<40x128xi32, #tpu.memory_space<vmem>> -> memref<1x128xi32, #tpu.memory_space<vmem>>
      %dma_wait3A_98 = tpu.memref_squeeze %dma_wait3A_97 : memref<1x128xi32, #tpu.memory_space<vmem>> -> memref<128xi32, #tpu.memory_space<vmem>>
      %dma_wait3A_99 = arith.constant 0 : i32
      %dma_wait3A_100 = arith.constant 0 : i32
      %dma_wait3A_101 = tpu.memref_slice %arg15[%dma_wait3A_99, %dma_wait3A_100] : memref<10000x32xf32, #tpu.memory_space<vmem_shared>> -> memref<10000x32xf32, #tpu.memory_space<vmem_shared>>
      tpu.wait_indirect_dma semaphore(%run_scoped3A_89 : memref<!tpu.dma_semaphore, #tpu.memory_space<semaphore_mem>>) src(%arg9 : memref<128x32xf32, #tpu.memory_space<vmem>>) dst(%dma_wait3A_101 : memref<10000x32xf32, #tpu.memory_space<vmem_shared>>)
      tpu.yield
    }) : () -> ()
    %dma_start3A_64 = arith.constant 38 : i32
    %dma_start3A_65 = arith.constant 0 : i32
    %dma_start3A_66 = tpu.memref_slice %arg6[%dma_start3A_64, %dma_start3A_65] : memref<40x128xi32, #tpu.memory_space<vmem>> -> memref<1x128xi32, #tpu.memory_space<vmem>>
    %dma_start3A_67 = tpu.memref_squeeze %dma_start3A_66 : memref<1x128xi32, #tpu.memory_space<vmem>> -> memref<128xi32, #tpu.memory_space<vmem>>
    %dma_start3A_68 = arith.constant 0 : i32
    %dma_start3A_69 = arith.constant 0 : i32
    %dma_start3A_70 = tpu.memref_slice %arg14[%dma_start3A_68, %dma_start3A_69] : memref<10000x32xf32, #tpu.memory_space<vmem_shared>> -> memref<10000x32xf32, #tpu.memory_space<vmem_shared>>
    tpu.enqueue_indirect_dma source(%dma_start3A_70 : memref<10000x32xf32, #tpu.memory_space<vmem_shared>>) target(%arg10 : memref<128x32xf32, #tpu.memory_space<vmem>>) offsets(%dma_start3A_67 : memref<128xi32, #tpu.memory_space<vmem>>) semaphore(%arg18 : memref<!tpu.dma_semaphore, #tpu.memory_space<semaphore_mem>>)
    %dma_wait3A_71 = arith.constant 38 : i32
    %dma_wait3A_72 = arith.constant 0 : i32
    %dma_wait3A_73 = tpu.memref_slice %arg6[%dma_wait3A_71, %dma_wait3A_72] : memref<40x128xi32, #tpu.memory_space<vmem>> -> memref<1x128xi32, #tpu.memory_space<vmem>>
    %dma_wait3A_74 = tpu.memref_squeeze %dma_wait3A_73 : memref<1x128xi32, #tpu.memory_space<vmem>> -> memref<128xi32, #tpu.memory_space<vmem>>
    %dma_wait3A_75 = arith.constant 0 : i32
    %dma_wait3A_76 = arith.constant 0 : i32
    %dma_wait3A_77 = tpu.memref_slice %arg14[%dma_wait3A_75, %dma_wait3A_76] : memref<10000x32xf32, #tpu.memory_space<vmem_shared>> -> memref<10000x32xf32, #tpu.memory_space<vmem_shared>>
    tpu.wait_indirect_dma semaphore(%arg18 : memref<!tpu.dma_semaphore, #tpu.memory_space<semaphore_mem>>) src(%dma_wait3A_77 : memref<10000x32xf32, #tpu.memory_space<vmem_shared>>) dst(%arg10 : memref<128x32xf32, #tpu.memory_space<vmem>>)
    %run_scoped3A_78 = arith.constant 38 : i32
    "tpu.region"() ({
      %run_scoped3A_89 = tpu.sem_alloc : memref<!tpu.dma_semaphore, #tpu.memory_space<semaphore_mem>>
      %dma_start3A_90 = arith.constant 0 : i32
      %dma_start3A_91 = tpu.memref_slice %arg7[%run_scoped3A_78, %dma_start3A_90] : memref<40x128xi32, #tpu.memory_space<vmem>> -> memref<1x128xi32, #tpu.memory_space<vmem>>
      %dma_start3A_92 = tpu.memref_squeeze %dma_start3A_91 : memref<1x128xi32, #tpu.memory_space<vmem>> -> memref<128xi32, #tpu.memory_space<vmem>>
      %dma_start3A_93 = arith.constant 0 : i32
      %dma_start3A_94 = arith.constant 0 : i32
      %dma_start3A_95 = tpu.memref_slice %arg15[%dma_start3A_93, %dma_start3A_94] : memref<10000x32xf32, #tpu.memory_space<vmem_shared>> -> memref<10000x32xf32, #tpu.memory_space<vmem_shared>>
      tpu.enqueue_indirect_dma source(%arg10 : memref<128x32xf32, #tpu.memory_space<vmem>>) target(%dma_start3A_95 : memref<10000x32xf32, #tpu.memory_space<vmem_shared>>) offsets(%dma_start3A_92 : memref<128xi32, #tpu.memory_space<vmem>>) semaphore(%run_scoped3A_89 : memref<!tpu.dma_semaphore, #tpu.memory_space<semaphore_mem>>) {add = true}
      %dma_wait3A_96 = arith.constant 0 : i32
      %dma_wait3A_97 = tpu.memref_slice %arg7[%run_scoped3A_78, %dma_wait3A_96] : memref<40x128xi32, #tpu.memory_space<vmem>> -> memref<1x128xi32, #tpu.memory_space<vmem>>
      %dma_wait3A_98 = tpu.memref_squeeze %dma_wait3A_97 : memref<1x128xi32, #tpu.memory_space<vmem>> -> memref<128xi32, #tpu.memory_space<vmem>>
      %dma_wait3A_99 = arith.constant 0 : i32
      %dma_wait3A_100 = arith.constant 0 : i32
      %dma_wait3A_101 = tpu.memref_slice %arg15[%dma_wait3A_99, %dma_wait3A_100] : memref<10000x32xf32, #tpu.memory_space<vmem_shared>> -> memref<10000x32xf32, #tpu.memory_space<vmem_shared>>
      tpu.wait_indirect_dma semaphore(%run_scoped3A_89 : memref<!tpu.dma_semaphore, #tpu.memory_space<semaphore_mem>>) src(%arg10 : memref<128x32xf32, #tpu.memory_space<vmem>>) dst(%dma_wait3A_101 : memref<10000x32xf32, #tpu.memory_space<vmem_shared>>)
      tpu.yield
    }) : () -> ()
    %lt3A_79 = arith.constant 2 : i32
    %lt3A_80 = arith.cmpi slt, %add3A, %lt3A_79 : i32
    %convert_element_type3A_81 = arith.extui %lt3A_80 : i1 to i32
    %cond3A_82 = arith.constant 0 : i32
    %cond3A_83 = arith.cmpi ne, %convert_element_type3A_81, %cond3A_82 : i32
    scf.if %cond3A_83 {
      %dma_start3A_89 = arith.constant 39 : i32
      %dma_start3A_90 = arith.constant 0 : i32
      %dma_start3A_91 = tpu.memref_slice %arg6[%dma_start3A_89, %dma_start3A_90] : memref<40x128xi32, #tpu.memory_space<vmem>> -> memref<1x128xi32, #tpu.memory_space<vmem>>
      %dma_start3A_92 = tpu.memref_squeeze %dma_start3A_91 : memref<1x128xi32, #tpu.memory_space<vmem>> -> memref<128xi32, #tpu.memory_space<vmem>>
      %dma_start3A_93 = arith.constant 0 : i32
      %dma_start3A_94 = arith.constant 0 : i32
      %dma_start3A_95 = tpu.memref_slice %arg14[%dma_start3A_93, %dma_start3A_94] : memref<10000x32xf32, #tpu.memory_space<vmem_shared>> -> memref<10000x32xf32, #tpu.memory_space<vmem_shared>>
      tpu.enqueue_indirect_dma source(%dma_start3A_95 : memref<10000x32xf32, #tpu.memory_space<vmem_shared>>) target(%arg8 : memref<128x32xf32, #tpu.memory_space<vmem>>) offsets(%dma_start3A_92 : memref<128xi32, #tpu.memory_space<vmem>>) semaphore(%arg16 : memref<!tpu.dma_semaphore, #tpu.memory_space<semaphore_mem>>)
      %dma_wait3A_96 = arith.constant 39 : i32
      %dma_wait3A_97 = arith.constant 0 : i32
      %dma_wait3A_98 = tpu.memref_slice %arg6[%dma_wait3A_96, %dma_wait3A_97] : memref<40x128xi32, #tpu.memory_space<vmem>> -> memref<1x128xi32, #tpu.memory_space<vmem>>
      %dma_wait3A_99 = tpu.memref_squeeze %dma_wait3A_98 : memref<1x128xi32, #tpu.memory_space<vmem>> -> memref<128xi32, #tpu.memory_space<vmem>>
      %dma_wait3A_100 = arith.constant 0 : i32
      %dma_wait3A_101 = arith.constant 0 : i32
      %dma_wait3A_102 = tpu.memref_slice %arg14[%dma_wait3A_100, %dma_wait3A_101] : memref<10000x32xf32, #tpu.memory_space<vmem_shared>> -> memref<10000x32xf32, #tpu.memory_space<vmem_shared>>
      tpu.wait_indirect_dma semaphore(%arg16 : memref<!tpu.dma_semaphore, #tpu.memory_space<semaphore_mem>>) src(%dma_wait3A_102 : memref<10000x32xf32, #tpu.memory_space<vmem_shared>>) dst(%arg8 : memref<128x32xf32, #tpu.memory_space<vmem>>)
      %run_scoped3A_103 = arith.constant 39 : i32
      "tpu.region"() ({
        %run_scoped3A_104 = tpu.sem_alloc : memref<!tpu.dma_semaphore, #tpu.memory_space<semaphore_mem>>
        %dma_start3A_105 = arith.constant 0 : i32
        %dma_start3A_106 = tpu.memref_slice %arg7[%run_scoped3A_103, %dma_start3A_105] : memref<40x128xi32, #tpu.memory_space<vmem>> -> memref<1x128xi32, #tpu.memory_space<vmem>>
        %dma_start3A_107 = tpu.memref_squeeze %dma_start3A_106 : memref<1x128xi32, #tpu.memory_space<vmem>> -> memref<128xi32, #tpu.memory_space<vmem>>
        %dma_start3A_108 = arith.constant 0 : i32
        %dma_start3A_109 = arith.constant 0 : i32
        %dma_start3A_110 = tpu.memref_slice %arg15[%dma_start3A_108, %dma_start3A_109] : memref<10000x32xf32, #tpu.memory_space<vmem_shared>> -> memref<10000x32xf32, #tpu.memory_space<vmem_shared>>
        tpu.enqueue_indirect_dma source(%arg8 : memref<128x32xf32, #tpu.memory_space<vmem>>) target(%dma_start3A_110 : memref<10000x32xf32, #tpu.memory_space<vmem_shared>>) offsets(%dma_start3A_107 : memref<128xi32, #tpu.memory_space<vmem>>) semaphore(%run_scoped3A_104 : memref<!tpu.dma_semaphore, #tpu.memory_space<semaphore_mem>>) {add = true}
        %dma_wait3A_111 = arith.constant 0 : i32
        %dma_wait3A_112 = tpu.memref_slice %arg7[%run_scoped3A_103, %dma_wait3A_111] : memref<40x128xi32, #tpu.memory_space<vmem>> -> memref<1x128xi32, #tpu.memory_space<vmem>>
        %dma_wait3A_113 = tpu.memref_squeeze %dma_wait3A_112 : memref<1x128xi32, #tpu.memory_space<vmem>> -> memref<128xi32, #tpu.memory_space<vmem>>
        %dma_wait3A_114 = arith.constant 0 : i32
        %dma_wait3A_115 = arith.constant 0 : i32
        %dma_wait3A_116 = tpu.memref_slice %arg15[%dma_wait3A_114, %dma_wait3A_115] : memref<10000x32xf32, #tpu.memory_space<vmem_shared>> -> memref<10000x32xf32, #tpu.memory_space<vmem_shared>>
        tpu.wait_indirect_dma semaphore(%run_scoped3A_104 : memref<!tpu.dma_semaphore, #tpu.memory_space<semaphore_mem>>) src(%arg8 : memref<128x32xf32, #tpu.memory_space<vmem>>) dst(%dma_wait3A_116 : memref<10000x32xf32, #tpu.memory_space<vmem_shared>>)
        tpu.yield
      }) : () -> ()
    } else {
    }
    %barrier3A_84 = arith.constant 0 : index
    tpu.barrier barrier_id(%barrier3A_84)
    %mul3A_85 = arith.constant 625 : i32
    %mul3A_86 = arith.muli %arg1, %mul3A_85 : i32
    "tpu.region"() ({
      %run_scoped3A_89 = tpu.sem_alloc : memref<!tpu.dma_semaphore, #tpu.memory_space<semaphore_mem>>
      %dma_start3A_90 = arith.constant 0 : i32
      %dma_start3A_91 = tpu.memref_slice %arg15[%mul3A_86, %dma_start3A_90] : memref<10000x32xf32, #tpu.memory_space<vmem_shared>> -> memref<625x32xf32, #tpu.memory_space<vmem_shared>>
      %dma_start3A_92 = arith.constant 0 : i32
      %dma_start3A_93 = tpu.memref_slice %arg15[%mul3A_86, %dma_start3A_92] : memref<10000x32xf32, #tpu.memory_space<vmem_shared>> -> memref<625x32xf32, #tpu.memory_space<vmem_shared>>
      tpu.enqueue_dma source(%dma_start3A_93 : memref<625x32xf32, #tpu.memory_space<vmem_shared>>) target(%arg12 : memref<625x32xf32, #tpu.memory_space<vmem>>) target_semaphore(%run_scoped3A_89 : memref<!tpu.dma_semaphore, #tpu.memory_space<semaphore_mem>>)
      %dma_wait3A_94 = arith.constant 0 : i32
      %dma_wait3A_95 = tpu.memref_slice %arg15[%mul3A_86, %dma_wait3A_94] : memref<10000x32xf32, #tpu.memory_space<vmem_shared>> -> memref<625x32xf32, #tpu.memory_space<vmem_shared>>
      %dma_wait3A_96 = arith.constant 0 : i32
      %dma_wait3A_97 = tpu.memref_slice %arg15[%mul3A_86, %dma_wait3A_96] : memref<10000x32xf32, #tpu.memory_space<vmem_shared>> -> memref<625x32xf32, #tpu.memory_space<vmem_shared>>
      tpu.wait_dma2 semaphore(%run_scoped3A_89 : memref<!tpu.dma_semaphore, #tpu.memory_space<semaphore_mem>>) src(%dma_wait3A_97 : memref<625x32xf32, #tpu.memory_space<vmem_shared>>) dst(%arg12 : memref<625x32xf32, #tpu.memory_space<vmem>>)
      tpu.yield
    }) : () -> ()
    %mul3A_87 = arith.constant 625 : i32
    %mul3A_88 = arith.muli %arg1, %mul3A_87 : i32
    "tpu.region"() ({
      %run_scoped3A_89 = tpu.sem_alloc : memref<!tpu.dma_semaphore, #tpu.memory_space<semaphore_mem>>
      %dma_start3A_90 = arith.constant 0 : i32
      %dma_start3A_91 = tpu.memref_slice %arg5[%arg0, %mul3A_88, %dma_start3A_90] : memref<2x10000x32xf32, #tpu.memory_space<hbm>> -> memref<1x625x32xf32, #tpu.memory_space<hbm>>
      %dma_start3A_92 = tpu.memref_squeeze %dma_start3A_91 : memref<1x625x32xf32, #tpu.memory_space<hbm>> -> memref<625x32xf32, #tpu.memory_space<hbm>>
      %dma_start3A_93 = arith.constant 0 : i32
      %dma_start3A_94 = tpu.memref_slice %arg5[%arg0, %mul3A_88, %dma_start3A_93] : memref<2x10000x32xf32, #tpu.memory_space<hbm>> -> memref<1x625x32xf32, #tpu.memory_space<hbm>>
      %dma_start3A_95 = tpu.memref_squeeze %dma_start3A_94 : memref<1x625x32xf32, #tpu.memory_space<hbm>> -> memref<625x32xf32, #tpu.memory_space<hbm>>
      tpu.enqueue_dma source(%arg12 : memref<625x32xf32, #tpu.memory_space<vmem>>) target(%dma_start3A_95 : memref<625x32xf32, #tpu.memory_space<hbm>>) target_semaphore(%run_scoped3A_89 : memref<!tpu.dma_semaphore, #tpu.memory_space<semaphore_mem>>)
      %dma_wait3A_96 = arith.constant 0 : i32
      %dma_wait3A_97 = tpu.memref_slice %arg5[%arg0, %mul3A_88, %dma_wait3A_96] : memref<2x10000x32xf32, #tpu.memory_space<hbm>> -> memref<1x625x32xf32, #tpu.memory_space<hbm>>
      %dma_wait3A_98 = tpu.memref_squeeze %dma_wait3A_97 : memref<1x625x32xf32, #tpu.memory_space<hbm>> -> memref<625x32xf32, #tpu.memory_space<hbm>>
      %dma_wait3A_99 = arith.constant 0 : i32
      %dma_wait3A_100 = tpu.memref_slice %arg5[%arg0, %mul3A_88, %dma_wait3A_99] : memref<2x10000x32xf32, #tpu.memory_space<hbm>> -> memref<1x625x32xf32, #tpu.memory_space<hbm>>
      %dma_wait3A_101 = tpu.memref_squeeze %dma_wait3A_100 : memref<1x625x32xf32, #tpu.memory_space<hbm>> -> memref<625x32xf32, #tpu.memory_space<hbm>>
      tpu.wait_dma2 semaphore(%run_scoped3A_89 : memref<!tpu.dma_semaphore, #tpu.memory_space<semaphore_mem>>) src(%arg12 : memref<625x32xf32, #tpu.memory_space<vmem>>) dst(%dma_wait3A_101 : memref<625x32xf32, #tpu.memory_space<hbm>>)
      tpu.yield
    }) : () -> ()
    return
  }
}

module attributes {stable_mosaic.version = 14 : i64} {
  func.func @_mm1_body(%arg0: i32, %arg1: memref<2000x256xf32, #tpu.memory_space<vmem>>, %arg2: memref<32x256xf32, #tpu.memory_space<vmem>>, %arg3: memref<2000x32xf32, #tpu.memory_space<vmem>>) attributes {dimension_semantics = [#tpu.dimension_semantics<arbitrary>], iteration_bounds = array<i64: 5>, scalar_prefetch = 0 : i64, scratch_operands = 0 : i64, tpu.core_type = #tpu.core_type<tc>, window_params = [{transform_indices = @transform_0, window_bounds = array<i64: 2000, 256>}, {pipeline_mode = #tpu.pipeline_mode<synchronous>, transform_indices = @transform_1, window_bounds = array<i64: 32, 256>}, {transform_indices = @transform_2, window_bounds = array<i64: 2000, 32>}]} {
    %get3A = arith.constant 0 : index
    %get3A_0 = arith.constant 0 : index
    %get3A_1 = vector.load %arg1[%get3A, %get3A_0] : memref<2000x256xf32, #tpu.memory_space<vmem>>, vector<2000x256xf32>
    %get3A_2 = arith.constant 0 : index
    %get3A_3 = arith.constant 0 : index
    %get3A_4 = vector.load %arg2[%get3A_2, %get3A_3] : memref<32x256xf32, #tpu.memory_space<vmem>>, vector<32x256xf32>
    %dot_general3A = arith.constant dense<0.000000e+00> : vector<2000x32xf32>
    %dot_general3A_5 = tpu.matmul %get3A_1, %get3A_4, %dot_general3A {dimension_numbers = #tpu.dot_dimension_numbers<[1], [1], [0], [0], [0, 0, 1, 0], [], []>, transpose_lhs_hint = false} : vector<2000x256xf32>, vector<32x256xf32>, vector<2000x32xf32> -> vector<2000x32xf32>
    %swap3A = arith.constant 0 : index
    %swap3A_6 = arith.constant 0 : index
    %swap3A_7 = vector.load %arg3[%swap3A, %swap3A_6] : memref<2000x32xf32, #tpu.memory_space<vmem>>, vector<2000x32xf32>
    tpu.vector_store %arg3[%swap3A, %swap3A_6], %dot_general3A_5 {strides = array<i32>} : memref<2000x32xf32, #tpu.memory_space<vmem>>, vector<2000x32xf32>,
    return
  }
  func.func @transform_0(%arg0: i32) -> (i32, i32) {
    %c0_i32 = arith.constant 0 : i32
    %c0_i32_0 = arith.constant 0 : i32
    return %arg0, %c0_i32 : i32, i32
  }
  func.func @transform_1(%arg0: i32) -> (i32, i32) {
    %c0_i32 = arith.constant 0 : i32
    %c0_i32_0 = arith.constant 0 : i32
    %c0_i32_1 = arith.constant 0 : i32
    return %c0_i32, %c0_i32_0 : i32, i32
  }
  func.func @transform_2(%arg0: i32) -> (i32, i32) {
    %c0_i32 = arith.constant 0 : i32
    %c0_i32_0 = arith.constant 0 : i32
    return %arg0, %c0_i32 : i32, i32
  }
}

module attributes {stable_mosaic.version = 14 : i64} {
  func.func @_mm2_body(%arg0: i32, %arg1: memref<2x2000x32xf32, #tpu.memory_space<vmem>>, %arg2: memref<256x32xf32, #tpu.memory_space<vmem>>, %arg3: memref<2000x256xf32, #tpu.memory_space<vmem>>) attributes {dimension_semantics = [#tpu.dimension_semantics<arbitrary>], iteration_bounds = array<i64: 5>, scalar_prefetch = 0 : i64, scratch_operands = 0 : i64, tpu.core_type = #tpu.core_type<tc>, window_params = [{transform_indices = @transform_0, window_bounds = array<i64: 2, 2000, 32>}, {pipeline_mode = #tpu.pipeline_mode<synchronous>, transform_indices = @transform_1, window_bounds = array<i64: 256, 32>}, {transform_indices = @transform_2, window_bounds = array<i64: 2000, 256>}]} {
    %get3A = arith.constant 0 : index
    %get3A_0 = arith.constant 0 : index
    %get3A_1 = arith.constant 0 : index
    %get3A_2 = vector.load %arg1[%get3A, %get3A_0, %get3A_1] : memref<2x2000x32xf32, #tpu.memory_space<vmem>>, vector<1x2000x32xf32>
    %get3A_3 = vector.shape_cast %get3A_2 : vector<1x2000x32xf32> to vector<2000x32xf32>
    %get3A_4 = arith.constant 1 : index
    %get3A_5 = arith.constant 0 : index
    %get3A_6 = arith.constant 0 : index
    %get3A_7 = vector.load %arg1[%get3A_4, %get3A_5, %get3A_6] : memref<2x2000x32xf32, #tpu.memory_space<vmem>>, vector<1x2000x32xf32>
    %get3A_8 = vector.shape_cast %get3A_7 : vector<1x2000x32xf32> to vector<2000x32xf32>
    %add3A = arith.addf %get3A_3, %get3A_8 : vector<2000x32xf32>
    %get3A_9 = arith.constant 0 : index
    %get3A_10 = arith.constant 0 : index
    %get3A_11 = vector.load %arg2[%get3A_9, %get3A_10] : memref<256x32xf32, #tpu.memory_space<vmem>>, vector<256x32xf32>
    %dot_general3A = arith.constant dense<0.000000e+00> : vector<2000x256xf32>
    %dot_general3A_12 = tpu.matmul %add3A, %get3A_11, %dot_general3A {dimension_numbers = #tpu.dot_dimension_numbers<[1], [1], [0], [0], [0, 0, 1, 0], [], []>, transpose_lhs_hint = false} : vector<2000x32xf32>, vector<256x32xf32>, vector<2000x256xf32> -> vector<2000x256xf32>
    %swap3A = arith.constant 0 : index
    %swap3A_13 = arith.constant 0 : index
    %swap3A_14 = vector.load %arg3[%swap3A, %swap3A_13] : memref<2000x256xf32, #tpu.memory_space<vmem>>, vector<2000x256xf32>
    tpu.vector_store %arg3[%swap3A, %swap3A_13], %dot_general3A_12 {strides = array<i32>} : memref<2000x256xf32, #tpu.memory_space<vmem>>, vector<2000x256xf32>,
    return
  }
  func.func @transform_0(%arg0: i32) -> (i32, i32, i32) {
    %c0_i32 = arith.constant 0 : i32
    %c0_i32_0 = arith.constant 0 : i32
    %c0_i32_1 = arith.constant 0 : i32
    return %c0_i32, %arg0, %c0_i32_0 : i32, i32, i32
  }
  func.func @transform_1(%arg0: i32) -> (i32, i32) {
    %c0_i32 = arith.constant 0 : i32
    %c0_i32_0 = arith.constant 0 : i32
    %c0_i32_1 = arith.constant 0 : i32
    return %c0_i32, %c0_i32_0 : i32, i32
  }
  func.func @transform_2(%arg0: i32) -> (i32, i32) {
    %c0_i32 = arith.constant 0 : i32
    %c0_i32_0 = arith.constant 0 : i32
    return %arg0, %c0_i32 : i32, i32
  }
}

</mosaic_0001>

<sc_bundles>
// kernel: kernel.6.cloned.1.call-start
scs
__scs_entry_jumppad:
0x0: {  	(pc) =	sbr.rel $0x88, $3  }
0x1: {  	(tag) =	ssettag $0x0;
	lr =	simm.s32 $0x1  }
0x2: {  	[smem:$0x3F9D] =	sst lr;
	_ =	strace $0xD0000000  }
0x3: {  	_ = 	snop  }
0x4: {  	_ = 	snop  }
0x5: {  	_ = 	snop  }
0x6: {  	_ = 	snop  }
0x7: {  	_ = 	snop  }
__scs_overlays_trampoline_lowered:
0x8: {  	[smem:$0x3FAC] =	sst s0  }
0x9: {  	[smem:$0x3FAD] =	sst s1  }
0xa: {  	[smem:$0x3FAE] =	sst s2  }
0xb: {  	[smem:$0x3FAF] =	sst s3  }
0xc: {  	[smem:$0x3FB0] =	sst s4  }
0xd: {  	[smem:$0x3FB1] =	sst s5  }
0xe: {  	[smem:$0x3FB2] =	sst s6  }
0xf: {  	[smem:$0x3FB3] =	sst s7  }
0x10: {  	[smem:$0x3FB4] =	sst s8  }
0x11: {  	[smem:$0x3FB5] =	sst s9;
	s0 =	simm.s32 @!p0 $0x0  }
0x12: {  	s1 =	sld [smem:$0x3F9B];
	s0 =	simm.s32 @p0 $0x1  }
0x13: {  	[smem:$0x3FB6] =	sst s0;
	s0 =	simm.s32 @!p1 $0x0  }
0x14: {  	s2 =	sld [smem:$0x3F9A];
	s0 =	simm.s32 @p1 $0x1  }
0x15: {  	[smem:$0x3FB7] =	sst s0;
	s0 =	simm.s32 @!p2 $0x0  }
0x16: {  	s3 =	sld [smem:$0x3FDB];
	s0 =	simm.s32 @p2 $0x1  }
0x17: {  	s4 =	simm.s32 $0x1BF5;
	[smem:$0x3FB9] =	sst s0  }
0x18: {  	s0 =	sld [smem:$0x3F9C];
	_ =	swait.ge [sflag:s4], $0x0  }
0x19: {  	s7 =	sld [smem:$0x3F9D]  }
0x1a: {  	s8 =	sadd.s32 $0xFFFFE003, lr  }
0x1b: {  	s9 =	sadd.s32 $0xFFFFFEF7, lr;
	s5 =	simm.s32 $0xFFFFFFFF;
	p2 =	slt.u32 s8, $0xFFFFF086  }
0x1c: {  	p1 =	slt.u32 s9, $0xF7A;
	s5 =	simm.s32 @!p2 $0x0  }
0x1d: {  	s5 =	simm.s32 @p1 $0x1;
	p0 =	seq.s32 s7, s2  }
0x1e: {  	s7 =	smul.u32 @!p0 $0xF7A, s2;
	p2 =	seq.s32 @!p0 s5, $0x0  }
0x1f: {  	s9 =	smul.u32 $0xF7A, s1;
	s8 =	simm.s32 @!p0 $0x1BF5;
	p2 =	por !p2, p0  }
0x20: {  	[sflag:s8] =	ssyncset.s32 @!p0 $0xFFFFF086;
	s6 =	sadd.s32 @!p0 s3, s7;
	s7 =	simm.s32 @!p0 $0x108  }
0x21: {  	s3 =	sadd.s32 s3, s9;
	s6 =	sadd.s32 @!p0 $0x88, s6;
	s7 =	simm.s32 @p2 $0x1082  }
0x22: {  	[simem:s7], [sflag:s8] =	dma.local @!p0 [hbm:s6], $0xF7A  }
0x23: {  	s9 =	sor.u32 $0xD0000000, s2;
	s6 =	simm.s32 $0x108;
	_ =	swait.ge @!p0 [sflag:s8], $0x0  }
0x24: {  	s3 =	sadd.s32 $0x88, s3;
	s6 =	simm.s32 @!p1 $0x1082;
	[sflag:s4] =	ssyncset.s32 $0xFFFFF086  }
0x25: {  	[simem:s6], [sflag:s4] =	dma.local [hbm:s3], $0xF7A  }
0x26: {  	[smem:$0x3F9D] =	sst s1;
	(tag) =	ssettag s2;
	_ =	strace s9  }
0x27: {  	s1 =	sld [smem:$0x3FAD]  }
0x28: {  	s2 =	sld [smem:$0x3FAE]  }
0x29: {  	s4 =	sld [smem:$0x3FB0]  }
0x2a: {  	p0 =	seq.s32 s5, $0x0;
	s5 =	sld [smem:$0x3FB1]  }
0x2b: {  	s6 =	sld [smem:$0x3FB2]  }
0x2c: {  	s7 =	sld [smem:$0x3FB3]  }
0x2d: {  	s3 =	simm.s32 $0x108;
	s8 =	sld [smem:$0x3FB4]  }
0x2e: {  	s3 =	simm.s32 @!p0 $0x1082;
	s9 =	sld [smem:$0x3FB5]  }
0x2f: {  	lr =	sadd.s32 s0, s3;
	s0 =	sld [smem:$0x3FAC]  }
0x30: {  	s3 =	sld [smem:$0x3FAF]  }
0x31: {  	[smem:$0x3FB8] =	sst s10  }
0x32: {  	s10 =	sld [smem:$0x3FB6];
	_ =	sdelay $0x3  }
0x33: {  	p0 =	seq.s32 s10, $0x1;
	s10 =	sld [smem:$0x3FB8];
	_ =	sdelay $0x3  }
0x34: {  	[smem:$0x3FB8] =	sst s10  }
0x35: {  	s10 =	sld [smem:$0x3FB7];
	_ =	sdelay $0x3  }
0x36: {  	p1 =	seq.s32 s10, $0x1;
	s10 =	sld [smem:$0x3FB8];
	_ =	sdelay $0x3  }
0x37: {  	[smem:$0x3FB8] =	sst s10  }
0x38: {  	s10 =	sld [smem:$0x3FB9]  }
0x39: {  	_ = 	snop;
	(pc) =	sbr.ind lr, $3  }
0x3a: {  	_ = 	snop  }
0x3b: {  	_ = 	snop  }
0x3c: {  	p2 =	seq.s32 s10, $0x1;
	s10 =	sld [smem:$0x3FB8]  }
0x3d: {  	_ =	shalt  }
0x3e: {  	_ =	shalt  }
0x3f: {  	_ =	shalt  }
0x40: {  	_ =	shalt  }
0x41: {  	_ =	shalt  }
0x42: {  	_ =	shalt  }
0x43: {  	_ =	shalt  }
0x44: {  	_ =	shalt  }
0x45: {  	_ =	shalt  }
0x46: {  	_ =	shalt  }
0x47: {  	_ =	shalt  }
0x48: {  	_ =	shalt  }
0x49: {  	_ =	shalt  }
0x4a: {  	_ =	shalt  }
0x4b: {  	_ =	shalt  }
0x4c: {  	_ =	shalt  }
0x4d: {  	_ =	shalt  }
0x4e: {  	_ =	shalt  }
0x4f: {  	_ =	shalt  }
0x50: {  	_ =	shalt  }
0x51: {  	_ =	shalt  }
0x52: {  	_ =	shalt  }
0x53: {  	_ =	shalt  }
0x54: {  	_ =	shalt  }
0x55: {  	_ =	shalt  }
0x56: {  	_ =	shalt  }
0x57: {  	_ =	shalt  }
0x58: {  	_ =	shalt  }
0x59: {  	_ =	shalt  }
0x5a: {  	_ =	shalt  }
0x5b: {  	_ =	shalt  }
0x5c: {  	_ =	shalt  }
0x5d: {  	_ =	shalt  }
0x5e: {  	_ =	shalt  }
0x5f: {  	_ =	shalt  }
0x60: {  	_ =	shalt  }
0x61: {  	_ =	shalt  }
0x62: {  	_ =	shalt  }
0x63: {  	_ =	shalt  }
0x64: {  	_ =	shalt  }
0x65: {  	_ =	shalt  }
0x66: {  	_ =	shalt  }
0x67: {  	_ =	shalt  }
0x68: {  	_ =	shalt  }
0x69: {  	_ =	shalt  }
0x6a: {  	_ =	shalt  }
0x6b: {  	_ =	shalt  }
0x6c: {  	_ =	shalt  }
0x6d: {  	_ =	shalt  }
0x6e: {  	_ =	shalt  }
0x6f: {  	_ =	shalt  }
0x70: {  	_ =	shalt  }
0x71: {  	_ =	shalt  }
0x72: {  	_ =	shalt  }
0x73: {  	_ =	shalt  }
0x74: {  	_ =	shalt  }
0x75: {  	_ =	shalt  }
0x76: {  	_ =	shalt  }
0x77: {  	_ =	shalt  }
0x78: {  	_ =	shalt  }
0x79: {  	_ =	shalt  }
0x7a: {  	_ =	shalt  }
0x7b: {  	_ =	shalt  }
0x7c: {  	_ =	shalt  }
0x7d: {  	_ =	shalt  }
0x7e: {  	_ =	shalt  }
0x7f: {  	_ =	shalt  }
0x80: {  	_ =	shalt  }
0x81: {  	_ =	shalt  }
0x82: {  	_ =	shalt  }
0x83: {  	_ =	shalt  }
0x84: {  	_ =	shalt  }
0x85: {  	_ =	shalt  }
0x86: {  	_ =	shalt  }
0x87: {  	_ =	shalt  }
.Lfunc_end0:
.L_simem_size_0:
called_computation_lowered:
.L_overlay_start_0:
0x88: {  	s2 =	sld [smem:$0x3FD9]  }
0x89: {  	s3 =	sld [smem:$0x3FFE];
	_ =	sdelay $0x1  }
0x8a: {  	s1 =	srdreg.scid  }
0x8b: {  	s0 =	sand.u32 $0x1, s1  }
0x8c: {  	s17 =	sshll.u32 s0, $0xA;
	s2 =	sadd.s32 s3, s2  }
0x8d: {  	s2 =	sadd.s32 s2, s17  }
0x8e: {  	[smem:$0x3FC4] =	sst s2  }
0x8f: {  	_ = 	snop  }
0x90: {  	s2 =	sld [smem:$0x3FD0];
	(tm) =	ssettm $0x1  }
0x91: {  	s18 =	sld [smem:$0x3FFB];
	_ =	sdelay $0x3  }
0x92: {  	_ =	strace s18  }
0x93: {  	s3 =	sld [smem:$0x3FFC];
	_ =	sdelay $0x3  }
0x94: {  	_ =	strace s3  }
0x95: {  	s3 =	sld [smem:$0x3FFD];
	_ =	sdelay $0x3  }
0x96: {  	_ =	strace s3  }
0x97: {  	_ =	strace $0x8FFFFFFF  }
0x98: {  	s19 =	sld [smem:$0x3FDB];
	_ =	sdelay $0x1  }
0x99: {  	s4 =	simm.s32 $_scs_section_size  }
0x9a: {  	s5 =	simm.s32 $_size__tile_overlayer_lowered;
	s6 =	simm.s32 $_tile_overlayer_lowered  }
0x9b: {  	s22 =	simm.s32 $0x1BFF;
	s21 =	sshll.u32 s6, $0x1;
	s3 =	sadd.s32 s4, s19  }
0x9c: {  	s7 =	simm.s32 $0x0;
	s20 =	sshll.u32 s5, $0x1;
	s5 =	sadd.s32 s21, s3  }
0x9d: {  	[timem:s7], [sflag:s22] =	dma.local [hbm:s5], s20  }
0x9e: {  	_ =	swait.ge [sflag:s22], s20  }
0x9f: {  	s4 =	ssub.s32 $0x0, s20;
	[sflag:s22] =	ssyncset.done $0x0  }
0xa0: {  	[sflag:s22] =	ssyncadd.s32 s4;
	_ =	sdelay $0x1  }
0xa1: {  	s23 =	simm.s32 $0x1B8B  }
0xa2: {  	_ =	swait.ge [sflag:s23], $0x1  }
0xa3: {  	[sflag:s23] =	ssyncset.done $0x0  }
0xa4: {  	s25 =	simm.s32 $0x1B8E;
	s24 =	sld [smem:$0x3FFE];
	[sflag:s23] =	ssyncadd.s32 $0xFFFFFFFF  }
0xa5: {  	s26 =	simm.s32 $execute0_lowered;
	[smem:$0x3FD2] =	sst s25  }
0xa6: {  	s5 =	sshll.u32 s26, $0x1;
	_ =	strace $0x80000046;
	[dreg:$0x1] =	wrdreg $0xFFFFFFFF  }
0xa7: {  	s28 =	simm.s32 $_size_execute0_lowered;
	s3 =	sadd.s32 s3, s5;
	[dreg:$0x0] =	wrdreg $0x0  }
0xa8: {  	s5 =	sshll.u32 s28, $0x1;
	[dreg:$0x2] =	wrdreg s3  }
0xa9: {  	[dreg:$0x3] =	wrdreg s5  }
0xaa: {  	[dreg:$0x4] =	wrdreg $0xC0  }
0xab: {  	_ =	task [dreg:s7], $0x5FFFF  }
0xac: {  	[dreg:$0x1] =	wrdreg $0xFFFFFFFF  }
0xad: {  	[dreg:$0x0] =	wrdreg $0x60  }
0xae: {  	[dreg:$0x2] =	wrdreg s2  }
0xaf: {  	[dreg:$0x3] =	wrdreg s24  }
0xb0: {  	[dreg:$0x4] =	wrdreg $0xB6200  }
0xb1: {  	[dreg:$0x5] =	wrdreg $0x104400  }
0xb2: {  	[dreg:$0x6] =	wrdreg $0x9  }
0xb3: {  	_ =	task.clear_ibuf [dreg:s7], $0x7FFFF;
	_ =	strace $0x90000046  }
0xb4: {  	s29 =	simm.s32 $0x9;
	_ =	strace $0x80000048  }
0xb5: {  	_ =	swait.ge [sflag:s29], $0x1  }
0xb6: {  	[sflag:s29] =	ssyncadd.s32 $0xFFFFFFFF  }
0xb7: {  	_ =	strace $0x90000048  }
0xb8: {  	_ =	sfence  }
0xb9: {  	s30 =	sld [smem:$0x0];
	_ =	sdelay $0x2  }
0xba: {  	s31 =	sshll.u32 s1, $0xD;
	s1 =	sshrl.u32 s1, $0x2  }
0xbb: {  	s3 =	sand.u32 $0x4000, s31;
	s1 =	sadd.s32 s1, s30  }
0xbc: {  	s0 =	sor.u32 s3, s0;
	s1 =	sshll.u32 s1, $0x11  }
0xbd: {  	s0 =	sor.u32 s1, s0  }
0xbe: {  	s0 =	sadd.s32 $0x8F2B, s0  }
0xbf: {  	[sflag:s0] =	ssyncadd.remote.s32 $0x1  }
0xc0: {  	_ =	sfence.sel $0xFFFF  }
0xc1: {  	[dreg:$0x0] =	wrdreg $0xFFFFFFFF;
	(pc) =	sbr.abs _section_cstart, $3  }
0xc2: {  	[dreg:$0x1] =	wrdreg $0xFFFFFFFF  }
0xc3: {  	_ =	task.clear_ibuf [dreg:s7], $0x2FFFF;
	_ =	strace $0x9FFFFFFF  }
0xc4: {  	(tm) =	ssettm $0x7FFFFFFF  }
0xc5: {  	_ =	shalt  }
tec
execute0_lowered:
.L_overlay_start_1:
0x0: {  	(tag) =	ssettag $0x1  }
0x1: {  	s0 =	rddreg [dreg:$0x0]  }
0x2: {  	s1 =	rddreg [dreg:$0x1]  }
0x3: {  	s2 =	rddreg [dreg:$0x2]  }
0x4: {  	s3 =	rddreg [dreg:$0x3];
	s15 =	stileid.u32  }
0x5: {  	s4 =	simm.s32 $0x0;
	s5 =	srdreg.scid;
	s16 =	simm.s32 $0x5  }
0x6: {  	s18 =	simm.s32 $0x80;
	s19 =	simm.s32 $0x2800;
	s20 =	simm.s32 $0x3800  }
0x7: {  	s21 =	simm.s32 $0x4800;
	s22 =	simm.s32 $0x5800;
	s23 =	simm.s32 $0x1  }
0x8: {  	s24 =	simm.s32 $0x2;
	s25 =	simm.s32 $0x3;
	s26 =	simm.s32 $0x4  }
0x9: {  	s7 =	smul.u32 $0x4E20, s15;
	[smem:$0x7FF] =	sst s4;
	s8 =	sand.u32 $0x1, s5  }
0xa: {  	s11 =	sadd.s32 $0xE00, s1;
	s31 =	sshll.u32 s15, $0x4;
	_ =	strace $0x80000047  }
0xb: {  	s6 =	smul.u32 $0x4E200, s8;
	s10 =	sshll.u32 s8, $0x4;
	s12 =	ssub.s32 $0x2, s8  }
0xc: {  	p0 =	seq.s32 s8, $0x1;
	s28 =	sshrl.u32 s7, $0x3;
	s17 =	sor.u32 s15, s10  }
0xd: {  	s29 =	sshrl.u32 s12, $0x1;
	s15 =	simm.s32 $0x6800;
	s9 =	sadd.s32 s28, s1  }
0xe: {  	s6 =	sadd.s32 s7, s6;
	s13 =	smul.u32 $0x1380, s17;
	s14 =	ssub.s32 s12, s29  }
0xf: {  	s5 =	sadd.s32 s0, s28;
	s0 =	sadd.s32 s31, s11;
	p1 =	sgt.u32 s17, $0x1  }
0x10: {  	s17 =	simm.s32 $0x0;
	s6 =	sshrl.u32 s6, $0x3;
	s9 =	sadd.s32 $0xAC00, s9  }
0x11: {  	s12 =	sadd.s32 $0x9C20, s0;
	s14 =	smax.u32 s14, $0x1;
	s1 =	sadd.s32 s6, s1  }
0x12: {  	s6 =	sadd.s32 s7, s2;
	s30 =	sshrl.u32 s13, $0x3;
	s7 =	sadd.s32 s7, s3  }
0x13: {  	s8 =	sadd.s32 s11, s30;
	s11 =	sadd.s32 $0x4E00, s0;
	s13 =	sadd.s32 $0x14A00, s1  }
0x14: {  	s0 =	simm.s32 $0x1300;
	s1 =	simm.s32 $0x2700;
	s10 =	sadd.s32 $0x4E20, s8  }
.LBB2_1:
0x15: {  	[tilespmem:s15], [sflag:$0x5] =	stream.linear.gather [hbm4b:s5+s4], $0x4E20, $0x38;
	[tilespmem:$0x15260] =	vst v63  }
0x16: {  	_ =	swait.ge [sflag:s16], $0x4E20  }
0x17: {  	[sflag:s16] =	ssyncset.done $0x0  }
0x18: {  	[sflag:s16] =	ssyncadd.s32 $0xFFFFB1E0  }
0x19: {  	[spmem:s6] =	stream.linear.scatter [tilespmem:s15], [sflag:$0x5], $0x4E20, $0x38;
	[tilespmem:$0x15260] =	vst v63  }
0x1a: {  	_ =	swait.ge [sflag:s16], $0x4E20  }
0x1b: {  	[sflag:s16] =	ssyncset.done $0x0  }
0x1c: {  	s28 =	simm.s32 @p0 $0x0;
	s29 =	simm.s32 @p0 $0x6800;
	[sflag:s16] =	ssyncadd.s32 $0xFFFFB1E0  }
0x1d: {  	[tilespmem:s29], [sflag:$0x5] =	stream.linear.gather @p0 [hbm4b:s9+s28], $0x4E20, $0x38;
	[tilespmem:$0x15260] =	vst v63  }
0x1e: {  	s28 =	simm.s32 @p0 $0x5  }
0x1f: {  	_ =	swait.ge @p0 [sflag:s28], $0x4E20  }
0x20: {  	[sflag:s28] =	ssyncset.done @p0 $0x0  }
0x21: {  	[sflag:s28] =	ssyncadd.s32 @p0 $0xFFFFB1E0  }
0x22: {  	[spmem:s7] =	stream.linear.scatter [tilespmem:s15], [sflag:$0x5], $0x4E20, $0x38;
	[tilespmem:$0x15260] =	vst v63  }
0x23: {  	_ =	swait.ge [sflag:s16], $0x4E20  }
0x24: {  	[sflag:s16] =	ssyncset.done $0x0  }
0x25: {  	[sflag:s16] =	ssyncadd.s32 $0xFFFFB1E0  }
0x26: {  	[tilespmem:s4], [sflag:$0x5] =	stream.linear.gather [hbm4b:s8+s4], $0x1380, $0x38;
	[tilespmem:$0x15260] =	vst v63  }
0x27: {  	_ =	swait.ge [sflag:s16], $0x1380  }
0x28: {  	[sflag:s16] =	ssyncset.done $0x0  }
0x29: {  	s28 =	simm.s32 $0x1400;
	[sflag:s16] =	ssyncadd.s32 $0xFFFFEC80  }
0x2a: {  	[tilespmem:s28], [sflag:$0x5] =	stream.linear.gather [hbm4b:s10+s4], $0x1380, $0x38;
	[tilespmem:$0x15260] =	vst v63  }
0x2b: {  	_ =	swait.ge [sflag:s16], $0x1380  }
0x2c: {  	[sflag:s16] =	ssyncset.done $0x0  }
0x2d: {  	s29 =	simm.s32 @!p1 $0x1380;
	s28 =	simm.s32 @!p1 $0x0;
	[sflag:s16] =	ssyncadd.s32 $0xFFFFEC80  }
0x2e: {  	[tilespmem:s29], [sflag:$0x5] =	stream.linear.gather @!p1 [hbm4b:s11+s28], $0x80, $0x38;
	[tilespmem:$0x15260] =	vst v63  }
0x2f: {  	s29 =	simm.s32 @!p1 $0x5  }
0x30: {  	_ =	swait.ge @!p1 [sflag:s29], $0x80  }
0x31: {  	[sflag:s29] =	ssyncset.done @!p1 $0x0  }
0x32: {  	s30 =	simm.s32 @!p1 $0x2780;
	[sflag:s29] =	ssyncadd.s32 @!p1 $0xFFFFFF80  }
0x33: {  	[tilespmem:s30], [sflag:$0x5] =	stream.linear.gather @!p1 [hbm4b:s12+s28], $0x80, $0x38;
	[tilespmem:$0x15260] =	vst v63  }
0x34: {  	_ =	swait.ge @!p1 [sflag:s29], $0x80  }
0x35: {  	[sflag:s29] =	ssyncset.done @!p1 $0x0  }
0x36: {  	[sflag:s29] =	ssyncadd.s32 @!p1 $0xFFFFFF80  }
0x37: {  	s28 =	simm.s32 $0x0;
	[bflag:$0x0] =	sbarrier.arrive $0xFFFF  }
0x38: {  	[tilespmem:s19], [sflag:$0x1] =	stream.indirect.gather [spmem:s2], $0x20, s28, s18, $0xb8;
	[tilespmem:$0x15260] =	vst v63  }
0x39: {  	s28 =	simm.s32 $0x80  }
0x3a: {  	[tilespmem:s20], [sflag:$0x2] =	stream.indirect.gather [spmem:s2], $0x20, s28, s18, $0xb8;
	[tilespmem:$0x15260] =	vst v63  }
0x3b: {  	s28 =	simm.s32 $0x100  }
0x3c: {  	[tilespmem:s21], [sflag:$0x3] =	stream.indirect.gather [spmem:s2], $0x20, s28, s18, $0xb8;
	[tilespmem:$0x15260] =	vst v63  }
0x3d: {  	s28 =	simm.s32 $0x180  }
0x3e: {  	[tilespmem:s22], [sflag:$0x4] =	stream.indirect.gather [spmem:s2], $0x20, s28, s18, $0xb8;
	[tilespmem:$0x15260] =	vst v63  }
0x3f: {  	_ =	swait.ge [sflag:s23], $0x1000  }
0x40: {  	[sflag:s23] =	ssyncset.done $0x0  }
0x41: {  	s28 =	simm.s32 $0x1400;
	[sflag:s23] =	ssyncadd.s32 $0xFFFFF000  }
0x42: {  	[spmem:s3] =	stream.indirect.scatter.add.f32 [tilespmem:s19], [sflag:$0x5], $0x20, s28, s18, $0xb8;
	[tilespmem:$0x15260] =	vst v63  }
0x43: {  	_ =	swait.ge [sflag:s16], $0x1000  }
0x44: {  	[sflag:s16] =	ssyncset.done $0x0  }
0x45: {  	[sflag:s16] =	ssyncadd.s32 $0xFFFFF000  }
0x46: {  	_ =	swait.ge [sflag:s24], $0x1000  }
0x47: {  	[sflag:s24] =	ssyncset.done $0x0  }
0x48: {  	s28 =	simm.s32 $0x1480;
	[sflag:s24] =	ssyncadd.s32 $0xFFFFF000  }
0x49: {  	[spmem:s3] =	stream.indirect.scatter.add.f32 [tilespmem:s20], [sflag:$0x5], $0x20, s28, s18, $0xb8;
	[tilespmem:$0x15260] =	vst v63  }
0x4a: {  	_ =	swait.ge [sflag:s16], $0x1000  }
0x4b: {  	[sflag:s16] =	ssyncset.done $0x0  }
0x4c: {  	[sflag:s16] =	ssyncadd.s32 $0xFFFFF000  }
0x4d: {  	_ =	swait.ge [sflag:s25], $0x1000  }
0x4e: {  	[sflag:s25] =	ssyncset.done $0x0  }
0x4f: {  	s28 =	simm.s32 $0x1500;
	[sflag:s25] =	ssyncadd.s32 $0xFFFFF000  }
0x50: {  	[spmem:s3] =	stream.indirect.scatter.add.f32 [tilespmem:s21], [sflag:$0x5], $0x20, s28, s18, $0xb8;
	[tilespmem:$0x15260] =	vst v63  }
0x51: {  	_ =	swait.ge [sflag:s16], $0x1000  }
0x52: {  	[sflag:s16] =	ssyncset.done $0x0  }
0x53: {  	[sflag:s16] =	ssyncadd.s32 $0xFFFFF000  }
0x54: {  	_ =	swait.ge [sflag:s26], $0x1000  }
0x55: {  	[sflag:s26] =	ssyncset.done $0x0  }
0x56: {  	s28 =	simm.s32 $0x1580;
	[sflag:s26] =	ssyncadd.s32 $0xFFFFF000  }
0x57: {  	[spmem:s3] =	stream.indirect.scatter.add.f32 [tilespmem:s22], [sflag:$0x5], $0x20, s28, s18, $0xb8;
	[tilespmem:$0x15260] =	vst v63  }
0x58: {  	_ =	swait.ge [sflag:s16], $0x1000  }
0x59: {  	s29 =	simm.s32 $0x1000;
	s28 =	simm.s32 $0x800;
	[sflag:s16] =	ssyncset.done $0x0  }
.LBB2_2:
0x5a: {  	s30 =	sshra.s32 s28, $0x2  }
0x5b: {  	[sflag:s16] =	ssyncadd.s32 $0xFFFFF000;
	s28 =	smov.u32 s29;
	s31 =	sadd.s32 $0x800, s29  }
0x5c: {  	[tilespmem:s19], [sflag:$0x1] =	stream.indirect.gather [spmem:s2], $0x20, s30, s18, $0xb8;
	[tilespmem:$0x15260] =	vst v63  }
0x5d: {  	p2 =	sne.s32 s29, $0x4000;
	s29 =	sadd.s32 $0x80, s30  }
0x5e: {  	[tilespmem:s20], [sflag:$0x2] =	stream.indirect.gather [spmem:s2], $0x20, s29, s18, $0xb8;
	[tilespmem:$0x15260] =	vst v63  }
0x5f: {  	s29 =	sadd.s32 $0x100, s30  }
0x60: {  	[tilespmem:s21], [sflag:$0x3] =	stream.indirect.gather [spmem:s2], $0x20, s29, s18, $0xb8;
	[tilespmem:$0x15260] =	vst v63  }
0x61: {  	s29 =	sadd.s32 $0x180, s30  }
0x62: {  	[tilespmem:s22], [sflag:$0x4] =	stream.indirect.gather [spmem:s2], $0x20, s29, s18, $0xb8;
	[tilespmem:$0x15260] =	vst v63  }
0x63: {  	_ =	swait.ge [sflag:s23], $0x1000  }
0x64: {  	[sflag:s23] =	ssyncset.done $0x0  }
0x65: {  	s29 =	sadd.s32 $0x1400, s30;
	[sflag:s23] =	ssyncadd.s32 $0xFFFFF000  }
0x66: {  	[spmem:s3] =	stream.indirect.scatter.add.f32 [tilespmem:s19], [sflag:$0x5], $0x20, s29, s18, $0xb8;
	[tilespmem:$0x15260] =	vst v63  }
0x67: {  	_ =	swait.ge [sflag:s16], $0x1000  }
0x68: {  	[sflag:s16] =	ssyncset.done $0x0  }
0x69: {  	[sflag:s16] =	ssyncadd.s32 $0xFFFFF000  }
0x6a: {  	_ =	swait.ge [sflag:s24], $0x1000  }
0x6b: {  	[sflag:s24] =	ssyncset.done $0x0  }
0x6c: {  	s29 =	sadd.s32 $0x1480, s30;
	[sflag:s24] =	ssyncadd.s32 $0xFFFFF000  }
0x6d: {  	[spmem:s3] =	stream.indirect.scatter.add.f32 [tilespmem:s20], [sflag:$0x5], $0x20, s29, s18, $0xb8;
	[tilespmem:$0x15260] =	vst v63  }
0x6e: {  	_ =	swait.ge [sflag:s16], $0x1000  }
0x6f: {  	[sflag:s16] =	ssyncset.done $0x0  }
0x70: {  	[sflag:s16] =	ssyncadd.s32 $0xFFFFF000  }
0x71: {  	_ =	swait.ge [sflag:s25], $0x1000  }
0x72: {  	[sflag:s25] =	ssyncset.done $0x0  }
0x73: {  	s29 =	sadd.s32 $0x1500, s30;
	[sflag:s25] =	ssyncadd.s32 $0xFFFFF000  }
0x74: {  	[spmem:s3] =	stream.indirect.scatter.add.f32 [tilespmem:s21], [sflag:$0x5], $0x20, s29, s18, $0xb8;
	[tilespmem:$0x15260] =	vst v63  }
0x75: {  	_ =	swait.ge [sflag:s16], $0x1000  }
0x76: {  	[sflag:s16] =	ssyncset.done $0x0  }
0x77: {  	[sflag:s16] =	ssyncadd.s32 $0xFFFFF000  }
0x78: {  	_ =	swait.ge [sflag:s26], $0x1000  }
.Ltmp0:
0x79: {  	[sflag:s26] =	ssyncset.done $0x0;
	(pc) =	sbr.rel @p2 .LBB2_2-.Ltmp0, $4  }
0x7a: {  	s29 =	sadd.s32 $0x1580, s30;
	[sflag:s26] =	ssyncadd.s32 $0xFFFFF000  }
0x7b: {  	[spmem:s3] =	stream.indirect.scatter.add.f32 [tilespmem:s22], [sflag:$0x5], $0x20, s29, s18, $0xb8;
	[tilespmem:$0x15260] =	vst v63  }
0x7c: {  	_ =	swait.ge [sflag:s16], $0x1000  }
0x7d: {  	s29 =	smov.u32 s31;
	[sflag:s16] =	ssyncset.done $0x0  }
0x7e: {  	s28 =	sshra.s32 s28, $0x2;
	[sflag:s16] =	ssyncadd.s32 $0xFFFFF000  }
0x7f: {  	[tilespmem:s19], [sflag:$0x1] =	stream.indirect.gather [spmem:s2], $0x20, s28, s18, $0xb8;
	[tilespmem:$0x15260] =	vst v63  }
0x80: {  	s29 =	sadd.s32 $0x80, s28  }
0x81: {  	[tilespmem:s20], [sflag:$0x2] =	stream.indirect.gather [spmem:s2], $0x20, s29, s18, $0xb8;
	[tilespmem:$0x15260] =	vst v63  }
0x82: {  	s30 =	sadd.s32 $0x100, s28  }
0x83: {  	[tilespmem:s21], [sflag:$0x3] =	stream.indirect.gather [spmem:s2], $0x20, s30, s18, $0xb8;
	[tilespmem:$0x15260] =	vst v63  }
0x84: {  	s31 =	sadd.s32 $0x180, s28  }
0x85: {  	[tilespmem:s22], [sflag:$0x4] =	stream.indirect.gather [spmem:s2], $0x20, s31, s18, $0xb8;
	[tilespmem:$0x15260] =	vst v63  }
0x86: {  	_ =	swait.ge [sflag:s23], $0x1000  }
0x87: {  	[sflag:s23] =	ssyncset.done $0x0  }
0x88: {  	s30 =	sadd.s32 $0x1400, s28;
	[sflag:s23] =	ssyncadd.s32 $0xFFFFF000  }
0x89: {  	[spmem:s3] =	stream.indirect.scatter.add.f32 [tilespmem:s19], [sflag:$0x5], $0x20, s30, s18, $0xb8;
	[tilespmem:$0x15260] =	vst v63  }
0x8a: {  	_ =	swait.ge [sflag:s16], $0x1000  }
0x8b: {  	[sflag:s16] =	ssyncset.done $0x0  }
0x8c: {  	[sflag:s16] =	ssyncadd.s32 $0xFFFFF000  }
0x8d: {  	_ =	swait.ge [sflag:s24], $0x1000  }
0x8e: {  	[sflag:s24] =	ssyncset.done $0x0  }
0x8f: {  	s31 =	sadd.s32 $0x1480, s28;
	[sflag:s24] =	ssyncadd.s32 $0xFFFFF000  }
0x90: {  	[spmem:s3] =	stream.indirect.scatter.add.f32 [tilespmem:s20], [sflag:$0x5], $0x20, s31, s18, $0xb8;
	[tilespmem:$0x15260] =	vst v63  }
0x91: {  	_ =	swait.ge [sflag:s16], $0x1000  }
0x92: {  	[sflag:s16] =	ssyncset.done $0x0  }
0x93: {  	[sflag:s16] =	ssyncadd.s32 $0xFFFFF000  }
0x94: {  	_ =	swait.ge [sflag:s25], $0x1000  }
0x95: {  	[sflag:s25] =	ssyncset.done $0x0  }
0x96: {  	s30 =	sadd.s32 $0x1500, s28;
	[sflag:s25] =	ssyncadd.s32 $0xFFFFF000  }
0x97: {  	[spmem:s3] =	stream.indirect.scatter.add.f32 [tilespmem:s21], [sflag:$0x5], $0x20, s30, s18, $0xb8;
	[tilespmem:$0x15260] =	vst v63  }
0x98: {  	_ =	swait.ge [sflag:s16], $0x1000  }
0x99: {  	[sflag:s16] =	ssyncset.done $0x0  }
0x9a: {  	[sflag:s16] =	ssyncadd.s32 $0xFFFFF000  }
0x9b: {  	_ =	swait.ge [sflag:s26], $0x1000  }
0x9c: {  	[sflag:s26] =	ssyncset.done $0x0  }
0x9d: {  	s28 =	sadd.s32 $0x1580, s28;
	[sflag:s26] =	ssyncadd.s32 $0xFFFFF000  }
0x9e: {  	[spmem:s3] =	stream.indirect.scatter.add.f32 [tilespmem:s22], [sflag:$0x5], $0x20, s28, s18, $0xb8;
	[tilespmem:$0x15260] =	vst v63  }
0x9f: {  	_ =	swait.ge [sflag:s16], $0x1000  }
0xa0: {  	[sflag:s16] =	ssyncset.done $0x0  }
0xa1: {  	s31 =	simm.s32 $0x1200;
	[sflag:s16] =	ssyncadd.s32 $0xFFFFF000  }
0xa2: {  	[tilespmem:s19], [sflag:$0x1] =	stream.indirect.gather [spmem:s2], $0x20, s31, s18, $0xb8;
	[tilespmem:$0x15260] =	vst v63  }
0xa3: {  	_ =	swait.ge [sflag:s23], $0x1000  }
0xa4: {  	[sflag:s23] =	ssyncset.done $0x0  }
0xa5: {  	s29 =	simm.s32 $0x2600;
	[sflag:s23] =	ssyncadd.s32 $0xFFFFF000  }
0xa6: {  	[spmem:s3] =	stream.indirect.scatter.add.f32 [tilespmem:s19], [sflag:$0x5], $0x20, s29, s18, $0xb8;
	[tilespmem:$0x15260] =	vst v63  }
0xa7: {  	_ =	swait.ge [sflag:s16], $0x1000  }
0xa8: {  	[sflag:s16] =	ssyncset.done $0x0  }
0xa9: {  	s30 =	simm.s32 $0x1280;
	[sflag:s16] =	ssyncadd.s32 $0xFFFFF000  }
0xaa: {  	[tilespmem:s20], [sflag:$0x2] =	stream.indirect.gather [spmem:s2], $0x20, s30, s18, $0xb8;
	[tilespmem:$0x15260] =	vst v63  }
0xab: {  	_ =	swait.ge [sflag:s24], $0x1000  }
0xac: {  	[sflag:s24] =	ssyncset.done $0x0  }
0xad: {  	s31 =	simm.s32 $0x2680;
	[sflag:s24] =	ssyncadd.s32 $0xFFFFF000  }
0xae: {  	[spmem:s3] =	stream.indirect.scatter.add.f32 [tilespmem:s20], [sflag:$0x5], $0x20, s31, s18, $0xb8;
	[tilespmem:$0x15260] =	vst v63  }
0xaf: {  	_ =	swait.ge [sflag:s16], $0x1000  }
0xb0: {  	[sflag:s16] =	ssyncset.done $0x0  }
0xb1: {  	[sflag:s16] =	ssyncadd.s32 $0xFFFFF000  }
0xb2: {  	[tilespmem:s21], [sflag:$0x3] =	stream.indirect.gather [spmem:s2], $0x20, s0, s18, $0xb8;
	[tilespmem:$0x15260] =	vst v63  }
0xb3: {  	_ =	swait.ge [sflag:s25], $0x1000  }
0xb4: {  	[sflag:s25] =	ssyncset.done $0x0  }
0xb5: {  	[sflag:s25] =	ssyncadd.s32 $0xFFFFF000  }
0xb6: {  	[spmem:s3] =	stream.indirect.scatter.add.f32 [tilespmem:s21], [sflag:$0x5], $0x20, s1, s18, $0xb8;
	[tilespmem:$0x15260] =	vst v63  }
0xb7: {  	_ =	swait.ge [sflag:s16], $0x1000  }
0xb8: {  	s28 =	simm.s32 @!p1 $0x80;
	[sflag:s16] =	ssyncset.done $0x0  }
0xb9: {  	s29 =	simm.s32 @!p1 $0x1380;
	s30 =	simm.s32 @!p1 $0x2800;
	[sflag:s16] =	ssyncadd.s32 $0xFFFFF000  }
0xba: {  	[tilespmem:s30], [sflag:$0x1] =	stream.indirect.gather @!p1 [spmem:s2], $0x20, s29, s28, $0xb8;
	[tilespmem:$0x15260] =	vst v63  }
0xbb: {  	s29 =	simm.s32 @!p1 $0x1  }
0xbc: {  	_ =	swait.ge @!p1 [sflag:s29], $0x1000  }
0xbd: {  	[sflag:s29] =	ssyncset.done @!p1 $0x0  }
0xbe: {  	[sflag:s29] =	ssyncadd.s32 @!p1 $0xFFFFF000;
	s29 =	simm.s32 @!p1 $0x2780  }
0xbf: {  	[spmem:s3] =	stream.indirect.scatter.add.f32 @!p1 [tilespmem:s30], [sflag:$0x5], $0x20, s29, s28, $0xb8;
	[tilespmem:$0x15260] =	vst v63  }
0xc0: {  	s28 =	simm.s32 @!p1 $0x5  }
0xc1: {  	_ =	swait.ge @!p1 [sflag:s28], $0x1000  }
0xc2: {  	[sflag:s28] =	ssyncset.done @!p1 $0x0  }
0xc3: {  	[sflag:s28] =	ssyncadd.s32 @!p1 $0xFFFFF000  }
0xc4: {  	[bflag:$0x0] =	sbarrier.arrive $0xFFFF  }
0xc5: {  	[tilespmem:s15], [sflag:$0x5] =	stream.linear.gather [spmem:s7], $0x4E20, $0x38;
	[tilespmem:$0x15260] =	vst v63  }
0xc6: {  	s17 =	sadd.s32 $0x1, s17;
	_ =	swait.ge [sflag:s16], $0x4E20  }
0xc7: {  	p2 =	sne.s32 s17, s14;
	[sflag:s16] =	ssyncset.done $0x0  }
.Ltmp1:
0xc8: {  	[sflag:s16] =	ssyncadd.s32 $0xFFFFB1E0;
	(pc) =	sbr.rel @p2 .LBB2_1-.Ltmp1, $4  }
0xc9: {  	[hbm4b:s13+s4] =	stream.linear.scatter [tilespmem:s15], [sflag:$0x5], $0x4E20, $0x38;
	[tilespmem:$0x15260] =	vst v63  }
0xca: {  	_ =	swait.ge [sflag:s16], $0x4E20  }
0xcb: {  	[sflag:s16] =	ssyncset.done $0x0  }
0xcc: {  	[sflag:s16] =	ssyncadd.s32 $0xFFFFB1E0  }
0xcd: {  	_ =	sfence.sel $0x180000  }
0xce: {  	[bflag:$0x0] =	sbarrier.arrive $0xFFFF  }
0xcf: {  	_ =	strace $0x90000047  }
0xd0: {  	s0 =	stileid.u32;
	[bflag:$0x2] =	sbarrier.arrive $0xFFFF  }
0xd1: {  	p0 =	sne.s32 s0, $0x0;
	s0 =	rddreg [dreg:$0x4]  }
0xd2: {  	s0 =	sadd.s32 @!p0 $0x100000, s0  }
0xd3: {  	[sflag:s0] =	ssyncadd.tile.s32 @!p0 $0x1;
	_ =	shalt  }
.Lfunc_end2:
_tile_overlayer_lowered:
.L_overlay_start_2:
0xd4: {  	(tag) =	ssettag $0x2  }
0xd5: {  	s0 =	rddreg [dreg:$0x0];
	s2 =	stileid.u32  }
0xd6: {  	s1 =	rddreg [dreg:$0x1];
	p0 =	sne.s32 s2, $0x0  }
0xd7: {  	s3 =	rddreg [dreg:$0x2];
	[bflag:$0x3] =	sbarrier.arrive $0xFFFF;
	s2 =	simm.s32 @!p0 $0x1C05  }
0xd8: {  	[timem:s3], [sflag:s2] =	dma.local @!p0 [hbm:s0], s1  }
0xd9: {  	s0 =	simm.s32 @!p0 $0x5  }
0xda: {  	_ =	swait.ge @!p0 [sflag:s0], s1  }
0xdb: {  	s1 =	ssub.s32 @!p0 $0x0, s1;
	[sflag:s0] =	ssyncset.done @!p0 $0x0  }
0xdc: {  	[sflag:s0] =	ssyncadd.s32 @!p0 s1  }
0xdd: {  	[bflag:$0x3] =	sbarrier.arrive $0xFFFF  }
0xde: {  	_ =	shalt  }

// kernel: kernel.9.cloned.1.call-start
scs
__scs_entry_jumppad:
0x0: {  	(pc) =	sbr.rel $0x88, $3  }
0x1: {  	(tag) =	ssettag $0x0;
	lr =	simm.s32 $0x1  }
0x2: {  	[smem:$0x3F9D] =	sst lr;
	_ =	strace $0xD0000000  }
0x3: {  	_ = 	snop  }
0x4: {  	_ = 	snop  }
0x5: {  	_ = 	snop  }
0x6: {  	_ = 	snop  }
0x7: {  	_ = 	snop  }
__scs_overlays_trampoline_lowered:
0x8: {  	[smem:$0x3FAC] =	sst s0  }
0x9: {  	[smem:$0x3FAD] =	sst s1  }
0xa: {  	[smem:$0x3FAE] =	sst s2  }
0xb: {  	[smem:$0x3FAF] =	sst s3  }
0xc: {  	[smem:$0x3FB0] =	sst s4  }
0xd: {  	[smem:$0x3FB1] =	sst s5  }
0xe: {  	[smem:$0x3FB2] =	sst s6  }
0xf: {  	[smem:$0x3FB3] =	sst s7  }
0x10: {  	[smem:$0x3FB4] =	sst s8  }
0x11: {  	[smem:$0x3FB5] =	sst s9;
	s0 =	simm.s32 @!p0 $0x0  }
0x12: {  	s1 =	sld [smem:$0x3F9B];
	s0 =	simm.s32 @p0 $0x1  }
0x13: {  	[smem:$0x3FB6] =	sst s0;
	s0 =	simm.s32 @!p1 $0x0  }
0x14: {  	s2 =	sld [smem:$0x3F9A];
	s0 =	simm.s32 @p1 $0x1  }
0x15: {  	[smem:$0x3FB7] =	sst s0;
	s0 =	simm.s32 @!p2 $0x0  }
0x16: {  	s3 =	sld [smem:$0x3FDB];
	s0 =	simm.s32 @p2 $0x1  }
0x17: {  	s4 =	simm.s32 $0x1BF5;
	[smem:$0x3FB9] =	sst s0  }
0x18: {  	s0 =	sld [smem:$0x3F9C];
	_ =	swait.ge [sflag:s4], $0x0  }
0x19: {  	s7 =	sld [smem:$0x3F9D]  }
0x1a: {  	s8 =	sadd.s32 $0xFFFFE003, lr  }
0x1b: {  	s9 =	sadd.s32 $0xFFFFFEF7, lr;
	s5 =	simm.s32 $0xFFFFFFFF;
	p2 =	slt.u32 s8, $0xFFFFF086  }
0x1c: {  	p1 =	slt.u32 s9, $0xF7A;
	s5 =	simm.s32 @!p2 $0x0  }
0x1d: {  	s5 =	simm.s32 @p1 $0x1;
	p0 =	seq.s32 s7, s2  }
0x1e: {  	s7 =	smul.u32 @!p0 $0xF7A, s2;
	p2 =	seq.s32 @!p0 s5, $0x0  }
0x1f: {  	s9 =	smul.u32 $0xF7A, s1;
	s8 =	simm.s32 @!p0 $0x1BF5;
	p2 =	por !p2, p0  }
0x20: {  	[sflag:s8] =	ssyncset.s32 @!p0 $0xFFFFF086;
	s6 =	sadd.s32 @!p0 s3, s7;
	s7 =	simm.s32 @!p0 $0x108  }
0x21: {  	s3 =	sadd.s32 s3, s9;
	s6 =	sadd.s32 @!p0 $0x88, s6;
	s7 =	simm.s32 @p2 $0x1082  }
0x22: {  	[simem:s7], [sflag:s8] =	dma.local @!p0 [hbm:s6], $0xF7A  }
0x23: {  	s9 =	sor.u32 $0xD0000000, s2;
	s6 =	simm.s32 $0x108;
	_ =	swait.ge @!p0 [sflag:s8], $0x0  }
0x24: {  	s3 =	sadd.s32 $0x88, s3;
	s6 =	simm.s32 @!p1 $0x1082;
	[sflag:s4] =	ssyncset.s32 $0xFFFFF086  }
0x25: {  	[simem:s6], [sflag:s4] =	dma.local [hbm:s3], $0xF7A  }
0x26: {  	[smem:$0x3F9D] =	sst s1;
	(tag) =	ssettag s2;
	_ =	strace s9  }
0x27: {  	s1 =	sld [smem:$0x3FAD]  }
0x28: {  	s2 =	sld [smem:$0x3FAE]  }
0x29: {  	s4 =	sld [smem:$0x3FB0]  }
0x2a: {  	p0 =	seq.s32 s5, $0x0;
	s5 =	sld [smem:$0x3FB1]  }
0x2b: {  	s6 =	sld [smem:$0x3FB2]  }
0x2c: {  	s7 =	sld [smem:$0x3FB3]  }
0x2d: {  	s3 =	simm.s32 $0x108;
	s8 =	sld [smem:$0x3FB4]  }
0x2e: {  	s3 =	simm.s32 @!p0 $0x1082;
	s9 =	sld [smem:$0x3FB5]  }
0x2f: {  	lr =	sadd.s32 s0, s3;
	s0 =	sld [smem:$0x3FAC]  }
0x30: {  	s3 =	sld [smem:$0x3FAF]  }
0x31: {  	[smem:$0x3FB8] =	sst s10  }
0x32: {  	s10 =	sld [smem:$0x3FB6];
	_ =	sdelay $0x3  }
0x33: {  	p0 =	seq.s32 s10, $0x1;
	s10 =	sld [smem:$0x3FB8];
	_ =	sdelay $0x3  }
0x34: {  	[smem:$0x3FB8] =	sst s10  }
0x35: {  	s10 =	sld [smem:$0x3FB7];
	_ =	sdelay $0x3  }
0x36: {  	p1 =	seq.s32 s10, $0x1;
	s10 =	sld [smem:$0x3FB8];
	_ =	sdelay $0x3  }
0x37: {  	[smem:$0x3FB8] =	sst s10  }
0x38: {  	s10 =	sld [smem:$0x3FB9]  }
0x39: {  	_ = 	snop;
	(pc) =	sbr.ind lr, $3  }
0x3a: {  	_ = 	snop  }
0x3b: {  	_ = 	snop  }
0x3c: {  	p2 =	seq.s32 s10, $0x1;
	s10 =	sld [smem:$0x3FB8]  }
0x3d: {  	_ =	shalt  }
0x3e: {  	_ =	shalt  }
0x3f: {  	_ =	shalt  }
0x40: {  	_ =	shalt  }
0x41: {  	_ =	shalt  }
0x42: {  	_ =	shalt  }
0x43: {  	_ =	shalt  }
0x44: {  	_ =	shalt  }
0x45: {  	_ =	shalt  }
0x46: {  	_ =	shalt  }
0x47: {  	_ =	shalt  }
0x48: {  	_ =	shalt  }
0x49: {  	_ =	shalt  }
0x4a: {  	_ =	shalt  }
0x4b: {  	_ =	shalt  }
0x4c: {  	_ =	shalt  }
0x4d: {  	_ =	shalt  }
0x4e: {  	_ =	shalt  }
0x4f: {  	_ =	shalt  }
0x50: {  	_ =	shalt  }
0x51: {  	_ =	shalt  }
0x52: {  	_ =	shalt  }
0x53: {  	_ =	shalt  }
0x54: {  	_ =	shalt  }
0x55: {  	_ =	shalt  }
0x56: {  	_ =	shalt  }
0x57: {  	_ =	shalt  }
0x58: {  	_ =	shalt  }
0x59: {  	_ =	shalt  }
0x5a: {  	_ =	shalt  }
0x5b: {  	_ =	shalt  }
0x5c: {  	_ =	shalt  }
0x5d: {  	_ =	shalt  }
0x5e: {  	_ =	shalt  }
0x5f: {  	_ =	shalt  }
0x60: {  	_ =	shalt  }
0x61: {  	_ =	shalt  }
0x62: {  	_ =	shalt  }
0x63: {  	_ =	shalt  }
0x64: {  	_ =	shalt  }
0x65: {  	_ =	shalt  }
0x66: {  	_ =	shalt  }
0x67: {  	_ =	shalt  }
0x68: {  	_ =	shalt  }
0x69: {  	_ =	shalt  }
0x6a: {  	_ =	shalt  }
0x6b: {  	_ =	shalt  }
0x6c: {  	_ =	shalt  }
0x6d: {  	_ =	shalt  }
0x6e: {  	_ =	shalt  }
0x6f: {  	_ =	shalt  }
0x70: {  	_ =	shalt  }
0x71: {  	_ =	shalt  }
0x72: {  	_ =	shalt  }
0x73: {  	_ =	shalt  }
0x74: {  	_ =	shalt  }
0x75: {  	_ =	shalt  }
0x76: {  	_ =	shalt  }
0x77: {  	_ =	shalt  }
0x78: {  	_ =	shalt  }
0x79: {  	_ =	shalt  }
0x7a: {  	_ =	shalt  }
0x7b: {  	_ =	shalt  }
0x7c: {  	_ =	shalt  }
0x7d: {  	_ =	shalt  }
0x7e: {  	_ =	shalt  }
0x7f: {  	_ =	shalt  }
0x80: {  	_ =	shalt  }
0x81: {  	_ =	shalt  }
0x82: {  	_ =	shalt  }
0x83: {  	_ =	shalt  }
0x84: {  	_ =	shalt  }
0x85: {  	_ =	shalt  }
0x86: {  	_ =	shalt  }
0x87: {  	_ =	shalt  }
.Lfunc_end0:
.L_simem_size_0:
called_computation.1_lowered:
.L_overlay_start_0:
0x88: {  	s2 =	sld [smem:$0x3FD9]  }
0x89: {  	s3 =	sld [smem:$0x3FFE];
	_ =	sdelay $0x1  }
0x8a: {  	s1 =	srdreg.scid  }
0x8b: {  	s0 =	sand.u32 $0x1, s1  }
0x8c: {  	s17 =	sshll.u32 s0, $0xA;
	s2 =	sadd.s32 s3, s2  }
0x8d: {  	s2 =	sadd.s32 s2, s17  }
0x8e: {  	[smem:$0x3FC4] =	sst s2  }
0x8f: {  	_ = 	snop  }
0x90: {  	s2 =	sld [smem:$0x3FD0];
	(tm) =	ssettm $0x1  }
0x91: {  	s18 =	sld [smem:$0x3FFB];
	_ =	sdelay $0x3  }
0x92: {  	_ =	strace s18  }
0x93: {  	s3 =	sld [smem:$0x3FFC];
	_ =	sdelay $0x3  }
0x94: {  	_ =	strace s3  }
0x95: {  	s3 =	sld [smem:$0x3FFD];
	_ =	sdelay $0x3  }
0x96: {  	_ =	strace s3  }
0x97: {  	_ =	strace $0x8FFFFFFF  }
0x98: {  	s19 =	sld [smem:$0x3FDB];
	_ =	sdelay $0x1  }
0x99: {  	s4 =	simm.s32 $_scs_section_size  }
0x9a: {  	s5 =	simm.s32 $_size__tile_overlayer_lowered;
	s6 =	simm.s32 $_tile_overlayer_lowered  }
0x9b: {  	s22 =	simm.s32 $0x1BFF;
	s21 =	sshll.u32 s6, $0x1;
	s3 =	sadd.s32 s4, s19  }
0x9c: {  	s7 =	simm.s32 $0x0;
	s20 =	sshll.u32 s5, $0x1;
	s5 =	sadd.s32 s21, s3  }
0x9d: {  	[timem:s7], [sflag:s22] =	dma.local [hbm:s5], s20  }
0x9e: {  	_ =	swait.ge [sflag:s22], s20  }
0x9f: {  	s4 =	ssub.s32 $0x0, s20;
	[sflag:s22] =	ssyncset.done $0x0  }
0xa0: {  	[sflag:s22] =	ssyncadd.s32 s4;
	_ =	sdelay $0x1  }
0xa1: {  	s23 =	simm.s32 $0x1B8B  }
0xa2: {  	_ =	swait.ge [sflag:s23], $0x1  }
0xa3: {  	[sflag:s23] =	ssyncset.done $0x0  }
0xa4: {  	s25 =	simm.s32 $0x1B8E;
	s24 =	sld [smem:$0x3FFE];
	[sflag:s23] =	ssyncadd.s32 $0xFFFFFFFF  }
0xa5: {  	s26 =	simm.s32 $execute0_lowered;
	[smem:$0x3FD2] =	sst s25  }
0xa6: {  	s5 =	sshll.u32 s26, $0x1;
	_ =	strace $0x80000049;
	[dreg:$0x1] =	wrdreg $0xFFFFFFFF  }
0xa7: {  	s28 =	simm.s32 $_size_execute0_lowered;
	s3 =	sadd.s32 s3, s5;
	[dreg:$0x0] =	wrdreg $0x0  }
0xa8: {  	s5 =	sshll.u32 s28, $0x1;
	[dreg:$0x2] =	wrdreg s3  }
0xa9: {  	[dreg:$0x3] =	wrdreg s5  }
0xaa: {  	[dreg:$0x4] =	wrdreg $0xC0  }
0xab: {  	_ =	task [dreg:s7], $0x5FFFF  }
0xac: {  	[dreg:$0x1] =	wrdreg $0xFFFFFFFF  }
0xad: {  	[dreg:$0x0] =	wrdreg $0x60  }
0xae: {  	[dreg:$0x2] =	wrdreg s24  }
0xaf: {  	[dreg:$0x3] =	wrdreg s2  }
0xb0: {  	[dreg:$0x4] =	wrdreg $0x104400  }
0xb1: {  	[dreg:$0x5] =	wrdreg $0x152600  }
0xb2: {  	[dreg:$0x6] =	wrdreg $0x9  }
0xb3: {  	_ =	task.clear_ibuf [dreg:s7], $0x7FFFF;
	_ =	strace $0x90000049  }
0xb4: {  	s29 =	simm.s32 $0x9;
	_ =	strace $0x8000004B  }
0xb5: {  	_ =	swait.ge [sflag:s29], $0x1  }
0xb6: {  	[sflag:s29] =	ssyncadd.s32 $0xFFFFFFFF  }
0xb7: {  	_ =	strace $0x9000004B  }
0xb8: {  	_ =	sfence  }
0xb9: {  	s30 =	sld [smem:$0x0];
	_ =	sdelay $0x2  }
0xba: {  	s31 =	sshll.u32 s1, $0xD;
	s1 =	sshrl.u32 s1, $0x2  }
0xbb: {  	s3 =	sand.u32 $0x4000, s31;
	s1 =	sadd.s32 s1, s30  }
0xbc: {  	s0 =	sor.u32 s3, s0;
	s1 =	sshll.u32 s1, $0x11  }
0xbd: {  	s0 =	sor.u32 s1, s0  }
0xbe: {  	s0 =	sadd.s32 $0x8F2B, s0  }
0xbf: {  	[sflag:s0] =	ssyncadd.remote.s32 $0x1  }
0xc0: {  	_ =	sfence.sel $0xFFFF  }
0xc1: {  	[dreg:$0x0] =	wrdreg $0xFFFFFFFF;
	(pc) =	sbr.abs _section_cstart, $3  }
0xc2: {  	[dreg:$0x1] =	wrdreg $0xFFFFFFFF  }
0xc3: {  	_ =	task.clear_ibuf [dreg:s7], $0x2FFFF;
	_ =	strace $0x9FFFFFFF  }
0xc4: {  	(tm) =	ssettm $0x7FFFFFFF  }
0xc5: {  	_ =	shalt  }
tec
execute0_lowered:
.L_overlay_start_1:
0x0: {  	(tag) =	ssettag $0x1  }
0x1: {  	s0 =	rddreg [dreg:$0x0]  }
0x2: {  	s1 =	rddreg [dreg:$0x1]  }
0x3: {  	s2 =	rddreg [dreg:$0x2];
	s14 =	stileid.u32  }
0x4: {  	s3 =	rddreg [dreg:$0x3];
	s4 =	simm.s32 $0x0;
	s5 =	srdreg.scid  }
0x5: {  	s16 =	simm.s32 $0x6800;
	s17 =	simm.s32 $0x5;
	s20 =	simm.s32 $0x80  }
0x6: {  	s21 =	simm.s32 $0x2800;
	s22 =	simm.s32 $0x3800;
	s23 =	simm.s32 $0x4800  }
0x7: {  	s28 =	simm.s32 $0x3;
	s29 =	simm.s32 $0x4;
	s19 =	simm.s32 $0x2700  }
0x8: {  	s30 =	simm.s32 $0x0;
	s11 =	smul.u32 $0x4E20, s14;
	[smem:$0x7FF] =	sst s4  }
0x9: {  	s9 =	sand.u32 $0x1, s5;
	s26 =	sshll.u32 s14, $0x4;
	_ =	strace $0x8000004A  }
0xa: {  	s5 =	ssub.s32 $0x2, s9;
	s7 =	sshll.u32 s9, $0x4;
	p0 =	seq.s32 s9, $0x1  }
0xb: {  	s13 =	smul.u32 $0x4E200, s9;
	s6 =	sshrl.u32 s11, $0x3;
	s24 =	sshrl.u32 s5, $0x1  }
0xc: {  	s18 =	sor.u32 s14, s7;
	s7 =	sadd.s32 s11, s2;
	s8 =	sadd.s32 s11, s3  }
0xd: {  	s10 =	sadd.s32 s6, s0;
	s0 =	sadd.s32 $0xE00, s0;
	s15 =	ssub.s32 s5, s24  }
0xe: {  	s12 =	smul.u32 $0x1380, s18;
	s13 =	sadd.s32 s11, s13;
	p1 =	sgt.u32 s18, $0x1  }
0xf: {  	s24 =	simm.s32 $0x5800;
	s5 =	sadd.s32 $0x14A00, s10;
	s6 =	sadd.s32 $0x1E640, s10  }
0x10: {  	s9 =	sadd.s32 $0xAC00, s10;
	s31 =	sshrl.u32 s13, $0x3;
	s25 =	sshrl.u32 s12, $0x3  }
0x11: {  	s15 =	smax.u32 s15, $0x1;
	s14 =	sadd.s32 s1, s31;
	s10 =	sadd.s32 s0, s25  }
0x12: {  	s0 =	sadd.s32 s26, s0;
	s25 =	simm.s32 $0x1;
	s26 =	simm.s32 $0x2  }
0x13: {  	s11 =	sadd.s32 $0x4E20, s10;
	s12 =	sadd.s32 $0x4E00, s0;
	s13 =	sadd.s32 $0x9C20, s0  }
.LBB2_1:
0x14: {  	[tilespmem:s16], [sflag:$0x5] =	stream.linear.gather [hbm4b:s5+s4], $0x4E20, $0x38;
	[tilespmem:$0x1A080] =	vst v63  }
0x15: {  	_ =	swait.ge [sflag:s17], $0x4E20  }
0x16: {  	[sflag:s17] =	ssyncset.done $0x0  }
0x17: {  	s0 =	simm.s32 $0xB620;
	[sflag:s17] =	ssyncadd.s32 $0xFFFFB1E0  }
0x18: {  	[tilespmem:s0], [sflag:$0x5] =	stream.linear.gather [hbm4b:s6+s4], $0x4E20, $0x38;
	[tilespmem:$0x1A080] =	vst v63  }
0x19: {  	_ =	swait.ge [sflag:s17], $0x4E20  }
0x1a: {  	[sflag:s17] =	ssyncset.done $0x0  }
0x1b: {  	s0 =	simm.s32 $0x0;
	[sflag:s17] =	ssyncadd.s32 $0xFFFFB1E0  }
0x1c: {  	v0 =	vld [tilespmem:s0+$0xB620]  }
0x1d: {  	v1 =	vld [tilespmem:s0+$0xB630]  }
0x1e: {  	s1 =	simm.s32 $0x80;
	v2 =	vld [tilespmem:s0+$0x6800]  }
.LBB2_2:
0x1f: {  	p2 =	sne.s32 s1, $0x13800;
	v3 =	vld [tilespmem:s0+$0x6810];
	_ =	sdelay $0x3  }
.Ltmp0:
0x20: {  	v2 =	vadd.f32 v0, v2;
	(pc) =	sbr.rel @p2 .LBB2_2-.Ltmp0, $4  }
0x21: {  	s18 =	sshra.s32 s1, $0x2;
	v3 =	vadd.f32 v1, v3  }
0x22: {  	v0 =	vld [tilespmem:s18+$0xB620];
	v2 =	vmax.f32 v2, $0.0e+00  }
0x23: {  	v1 =	vld [tilespmem:s18+$0xB630];
	[tilespmem:s0+$0x6800] =	vst v2;
	v3 =	vmax.f32 v3, $0.0e+00  }
0x24: {  	s1 =	sadd.s32 $0x80, s1;
	v2 =	vld [tilespmem:s18+$0x6800];
	[tilespmem:s0+$0x6810] =	vst v3;
	s0 =	smov.u32 s18  }
0x25: {  	v3 =	vld [tilespmem:s0+$0x6810];
	_ =	sdelay $0x3  }
0x26: {  	v0 =	vadd.f32 v0, v2  }
0x27: {  	v1 =	vadd.f32 v1, v3  }
0x28: {  	v0 =	vmax.f32 v0, $0.0e+00  }
0x29: {  	[tilespmem:s0+$0x6800] =	vst v0;
	v63 =	vmax.f32 v1, $0.0e+00  }
0x2a: {  	[tilespmem:s0+$0x6810] =	vst v63  }
0x2b: {  	[spmem:s7] =	stream.linear.scatter [tilespmem:s16], [sflag:$0x5], $0x4E20, $0x38;
	[tilespmem:$0x1A080] =	vst v63  }
0x2c: {  	_ =	swait.ge [sflag:s17], $0x4E20  }
0x2d: {  	[sflag:s17] =	ssyncset.done $0x0  }
0x2e: {  	s1 =	simm.s32 @p0 $0xB620;
	s0 =	simm.s32 @p0 $0x0;
	[sflag:s17] =	ssyncadd.s32 $0xFFFFB1E0  }
0x2f: {  	[tilespmem:s1], [sflag:$0x5] =	stream.linear.gather @p0 [hbm4b:s9+s0], $0x4E20, $0x38;
	[tilespmem:$0x1A080] =	vst v63  }
0x30: {  	s0 =	simm.s32 @p0 $0x5  }
0x31: {  	_ =	swait.ge @p0 [sflag:s0], $0x4E20  }
0x32: {  	s1 =	simm.s32 $0x6800;
	[sflag:s0] =	ssyncset.done @p0 $0x0  }
0x33: {  	s1 =	simm.s32 @p0 $0xB620;
	[sflag:s0] =	ssyncadd.s32 @p0 $0xFFFFB1E0  }
0x34: {  	[spmem:s8] =	stream.linear.scatter [tilespmem:s1], [sflag:$0x5], $0x4E20, $0x38;
	[tilespmem:$0x1A080] =	vst v63  }
0x35: {  	_ =	swait.ge [sflag:s17], $0x4E20  }
0x36: {  	[sflag:s17] =	ssyncset.done $0x0  }
0x37: {  	[sflag:s17] =	ssyncadd.s32 $0xFFFFB1E0  }
0x38: {  	[tilespmem:s4], [sflag:$0x5] =	stream.linear.gather [hbm4b:s10+s4], $0x1380, $0x38;
	[tilespmem:$0x1A080] =	vst v63  }
0x39: {  	_ =	swait.ge [sflag:s17], $0x1380  }
0x3a: {  	[sflag:s17] =	ssyncset.done $0x0  }
0x3b: {  	s18 =	simm.s32 $0x1400;
	[sflag:s17] =	ssyncadd.s32 $0xFFFFEC80  }
0x3c: {  	[tilespmem:s18], [sflag:$0x5] =	stream.linear.gather [hbm4b:s11+s4], $0x1380, $0x38;
	[tilespmem:$0x1A080] =	vst v63  }
0x3d: {  	_ =	swait.ge [sflag:s17], $0x1380  }
0x3e: {  	[sflag:s17] =	ssyncset.done $0x0  }
0x3f: {  	s0 =	simm.s32 @!p1 $0x0;
	s1 =	simm.s32 @!p1 $0x1380;
	[sflag:s17] =	ssyncadd.s32 $0xFFFFEC80  }
0x40: {  	[tilespmem:s1], [sflag:$0x5] =	stream.linear.gather @!p1 [hbm4b:s12+s0], $0x80, $0x38;
	[tilespmem:$0x1A080] =	vst v63  }
0x41: {  	s1 =	simm.s32 @!p1 $0x5  }
0x42: {  	_ =	swait.ge @!p1 [sflag:s1], $0x80  }
0x43: {  	[sflag:s1] =	ssyncset.done @!p1 $0x0  }
0x44: {  	s18 =	simm.s32 @!p1 $0x2780;
	[sflag:s1] =	ssyncadd.s32 @!p1 $0xFFFFFF80  }
0x45: {  	[tilespmem:s18], [sflag:$0x5] =	stream.linear.gather @!p1 [hbm4b:s13+s0], $0x80, $0x38;
	[tilespmem:$0x1A080] =	vst v63  }
0x46: {  	_ =	swait.ge @!p1 [sflag:s1], $0x80  }
0x47: {  	[sflag:s1] =	ssyncset.done @!p1 $0x0  }
0x48: {  	[sflag:s1] =	ssyncadd.s32 @!p1 $0xFFFFFF80  }
0x49: {  	s1 =	simm.s32 $0x0;
	[bflag:$0x0] =	sbarrier.arrive $0xFFFF  }
0x4a: {  	[tilespmem:s21], [sflag:$0x1] =	stream.indirect.gather [spmem:s2], $0x20, s1, s20, $0xb8;
	[tilespmem:$0x1A080] =	vst v63  }
0x4b: {  	s18 =	simm.s32 $0x80  }
0x4c: {  	[tilespmem:s22], [sflag:$0x2] =	stream.indirect.gather [spmem:s2], $0x20, s18, s20, $0xb8;
	[tilespmem:$0x1A080] =	vst v63  }
0x4d: {  	s1 =	simm.s32 $0x100  }
0x4e: {  	[tilespmem:s23], [sflag:$0x3] =	stream.indirect.gather [spmem:s2], $0x20, s1, s20, $0xb8;
	[tilespmem:$0x1A080] =	vst v63  }
0x4f: {  	s18 =	simm.s32 $0x180  }
0x50: {  	[tilespmem:s24], [sflag:$0x4] =	stream.indirect.gather [spmem:s2], $0x20, s18, s20, $0xb8;
	[tilespmem:$0x1A080] =	vst v63  }
0x51: {  	_ =	swait.ge [sflag:s25], $0x1000  }
0x52: {  	[sflag:s25] =	ssyncset.done $0x0  }
0x53: {  	s1 =	simm.s32 $0x1400;
	[sflag:s25] =	ssyncadd.s32 $0xFFFFF000  }
0x54: {  	[spmem:s3] =	stream.indirect.scatter.add.f32 [tilespmem:s21], [sflag:$0x5], $0x20, s1, s20, $0xb8;
	[tilespmem:$0x1A080] =	vst v63  }
0x55: {  	_ =	swait.ge [sflag:s17], $0x1000  }
0x56: {  	[sflag:s17] =	ssyncset.done $0x0  }
0x57: {  	[sflag:s17] =	ssyncadd.s32 $0xFFFFF000  }
0x58: {  	_ =	swait.ge [sflag:s26], $0x1000  }
0x59: {  	[sflag:s26] =	ssyncset.done $0x0  }
0x5a: {  	s18 =	simm.s32 $0x1480;
	[sflag:s26] =	ssyncadd.s32 $0xFFFFF000  }
0x5b: {  	[spmem:s3] =	stream.indirect.scatter.add.f32 [tilespmem:s22], [sflag:$0x5], $0x20, s18, s20, $0xb8;
	[tilespmem:$0x1A080] =	vst v63  }
0x5c: {  	_ =	swait.ge [sflag:s17], $0x1000  }
0x5d: {  	[sflag:s17] =	ssyncset.done $0x0  }
0x5e: {  	[sflag:s17] =	ssyncadd.s32 $0xFFFFF000  }
0x5f: {  	_ =	swait.ge [sflag:s28], $0x1000  }
0x60: {  	[sflag:s28] =	ssyncset.done $0x0  }
0x61: {  	s1 =	simm.s32 $0x1500;
	[sflag:s28] =	ssyncadd.s32 $0xFFFFF000  }
0x62: {  	[spmem:s3] =	stream.indirect.scatter.add.f32 [tilespmem:s23], [sflag:$0x5], $0x20, s1, s20, $0xb8;
	[tilespmem:$0x1A080] =	vst v63  }
0x63: {  	_ =	swait.ge [sflag:s17], $0x1000  }
0x64: {  	[sflag:s17] =	ssyncset.done $0x0  }
0x65: {  	[sflag:s17] =	ssyncadd.s32 $0xFFFFF000  }
0x66: {  	_ =	swait.ge [sflag:s29], $0x1000  }
0x67: {  	[sflag:s29] =	ssyncset.done $0x0  }
0x68: {  	s18 =	simm.s32 $0x1580;
	[sflag:s29] =	ssyncadd.s32 $0xFFFFF000  }
0x69: {  	[spmem:s3] =	stream.indirect.scatter.add.f32 [tilespmem:s24], [sflag:$0x5], $0x20, s18, s20, $0xb8;
	[tilespmem:$0x1A080] =	vst v63  }
0x6a: {  	_ =	swait.ge [sflag:s17], $0x1000  }
0x6b: {  	s31 =	simm.s32 $0x800;
	s1 =	simm.s32 $0x1000;
	[sflag:s17] =	ssyncset.done $0x0  }
.LBB2_4:
0x6c: {  	s0 =	sshra.s32 s31, $0x2  }
0x6d: {  	[sflag:s17] =	ssyncadd.s32 $0xFFFFF000;
	s31 =	smov.u32 s1;
	s18 =	sadd.s32 $0x800, s1  }
0x6e: {  	[tilespmem:s21], [sflag:$0x1] =	stream.indirect.gather [spmem:s2], $0x20, s0, s20, $0xb8;
	[tilespmem:$0x1A080] =	vst v63  }
0x6f: {  	p2 =	sne.s32 s1, $0x4000;
	s1 =	sadd.s32 $0x80, s0  }
0x70: {  	[tilespmem:s22], [sflag:$0x2] =	stream.indirect.gather [spmem:s2], $0x20, s1, s20, $0xb8;
	[tilespmem:$0x1A080] =	vst v63  }
0x71: {  	s1 =	sadd.s32 $0x100, s0  }
0x72: {  	[tilespmem:s23], [sflag:$0x3] =	stream.indirect.gather [spmem:s2], $0x20, s1, s20, $0xb8;
	[tilespmem:$0x1A080] =	vst v63  }
0x73: {  	s1 =	sadd.s32 $0x180, s0  }
0x74: {  	[tilespmem:s24], [sflag:$0x4] =	stream.indirect.gather [spmem:s2], $0x20, s1, s20, $0xb8;
	[tilespmem:$0x1A080] =	vst v63  }
0x75: {  	_ =	swait.ge [sflag:s25], $0x1000  }
0x76: {  	[sflag:s25] =	ssyncset.done $0x0  }
0x77: {  	s1 =	sadd.s32 $0x1400, s0;
	[sflag:s25] =	ssyncadd.s32 $0xFFFFF000  }
0x78: {  	[spmem:s3] =	stream.indirect.scatter.add.f32 [tilespmem:s21], [sflag:$0x5], $0x20, s1, s20, $0xb8;
	[tilespmem:$0x1A080] =	vst v63  }
0x79: {  	_ =	swait.ge [sflag:s17], $0x1000  }
0x7a: {  	[sflag:s17] =	ssyncset.done $0x0  }
0x7b: {  	[sflag:s17] =	ssyncadd.s32 $0xFFFFF000  }
0x7c: {  	_ =	swait.ge [sflag:s26], $0x1000  }
0x7d: {  	[sflag:s26] =	ssyncset.done $0x0  }
0x7e: {  	s1 =	sadd.s32 $0x1480, s0;
	[sflag:s26] =	ssyncadd.s32 $0xFFFFF000  }
0x7f: {  	[spmem:s3] =	stream.indirect.scatter.add.f32 [tilespmem:s22], [sflag:$0x5], $0x20, s1, s20, $0xb8;
	[tilespmem:$0x1A080] =	vst v63  }
0x80: {  	_ =	swait.ge [sflag:s17], $0x1000  }
0x81: {  	[sflag:s17] =	ssyncset.done $0x0  }
0x82: {  	[sflag:s17] =	ssyncadd.s32 $0xFFFFF000  }
0x83: {  	_ =	swait.ge [sflag:s28], $0x1000  }
0x84: {  	[sflag:s28] =	ssyncset.done $0x0  }
0x85: {  	s1 =	sadd.s32 $0x1500, s0;
	[sflag:s28] =	ssyncadd.s32 $0xFFFFF000  }
0x86: {  	[spmem:s3] =	stream.indirect.scatter.add.f32 [tilespmem:s23], [sflag:$0x5], $0x20, s1, s20, $0xb8;
	[tilespmem:$0x1A080] =	vst v63  }
0x87: {  	_ =	swait.ge [sflag:s17], $0x1000  }
0x88: {  	[sflag:s17] =	ssyncset.done $0x0  }
0x89: {  	[sflag:s17] =	ssyncadd.s32 $0xFFFFF000  }
0x8a: {  	_ =	swait.ge [sflag:s29], $0x1000  }
.Ltmp1:
0x8b: {  	[sflag:s29] =	ssyncset.done $0x0;
	(pc) =	sbr.rel @p2 .LBB2_4-.Ltmp1, $4  }
0x8c: {  	s0 =	sadd.s32 $0x1580, s0;
	[sflag:s29] =	ssyncadd.s32 $0xFFFFF000  }
0x8d: {  	[spmem:s3] =	stream.indirect.scatter.add.f32 [tilespmem:s24], [sflag:$0x5], $0x20, s0, s20, $0xb8;
	[tilespmem:$0x1A080] =	vst v63  }
0x8e: {  	_ =	swait.ge [sflag:s17], $0x1000  }
0x8f: {  	s1 =	smov.u32 s18;
	[sflag:s17] =	ssyncset.done $0x0  }
0x90: {  	s0 =	sshra.s32 s31, $0x2;
	[sflag:s17] =	ssyncadd.s32 $0xFFFFF000  }
0x91: {  	[tilespmem:s21], [sflag:$0x1] =	stream.indirect.gather [spmem:s2], $0x20, s0, s20, $0xb8;
	[tilespmem:$0x1A080] =	vst v63  }
0x92: {  	s1 =	sadd.s32 $0x80, s0  }
0x93: {  	[tilespmem:s22], [sflag:$0x2] =	stream.indirect.gather [spmem:s2], $0x20, s1, s20, $0xb8;
	[tilespmem:$0x1A080] =	vst v63  }
0x94: {  	s31 =	sadd.s32 $0x100, s0  }
0x95: {  	[tilespmem:s23], [sflag:$0x3] =	stream.indirect.gather [spmem:s2], $0x20, s31, s20, $0xb8;
	[tilespmem:$0x1A080] =	vst v63  }
0x96: {  	s18 =	sadd.s32 $0x180, s0  }
0x97: {  	[tilespmem:s24], [sflag:$0x4] =	stream.indirect.gather [spmem:s2], $0x20, s18, s20, $0xb8;
	[tilespmem:$0x1A080] =	vst v63  }
0x98: {  	_ =	swait.ge [sflag:s25], $0x1000  }
0x99: {  	[sflag:s25] =	ssyncset.done $0x0  }
0x9a: {  	s31 =	sadd.s32 $0x1400, s0;
	[sflag:s25] =	ssyncadd.s32 $0xFFFFF000  }
0x9b: {  	[spmem:s3] =	stream.indirect.scatter.add.f32 [tilespmem:s21], [sflag:$0x5], $0x20, s31, s20, $0xb8;
	[tilespmem:$0x1A080] =	vst v63  }
0x9c: {  	_ =	swait.ge [sflag:s17], $0x1000  }
0x9d: {  	[sflag:s17] =	ssyncset.done $0x0  }
0x9e: {  	[sflag:s17] =	ssyncadd.s32 $0xFFFFF000  }
0x9f: {  	_ =	swait.ge [sflag:s26], $0x1000  }
0xa0: {  	[sflag:s26] =	ssyncset.done $0x0  }
0xa1: {  	s18 =	sadd.s32 $0x1480, s0;
	[sflag:s26] =	ssyncadd.s32 $0xFFFFF000  }
0xa2: {  	[spmem:s3] =	stream.indirect.scatter.add.f32 [tilespmem:s22], [sflag:$0x5], $0x20, s18, s20, $0xb8;
	[tilespmem:$0x1A080] =	vst v63  }
0xa3: {  	_ =	swait.ge [sflag:s17], $0x1000  }
0xa4: {  	[sflag:s17] =	ssyncset.done $0x0  }
0xa5: {  	[sflag:s17] =	ssyncadd.s32 $0xFFFFF000  }
0xa6: {  	_ =	swait.ge [sflag:s28], $0x1000  }
0xa7: {  	[sflag:s28] =	ssyncset.done $0x0  }
0xa8: {  	s31 =	sadd.s32 $0x1500, s0;
	[sflag:s28] =	ssyncadd.s32 $0xFFFFF000  }
0xa9: {  	[spmem:s3] =	stream.indirect.scatter.add.f32 [tilespmem:s23], [sflag:$0x5], $0x20, s31, s20, $0xb8;
	[tilespmem:$0x1A080] =	vst v63  }
0xaa: {  	_ =	swait.ge [sflag:s17], $0x1000  }
0xab: {  	[sflag:s17] =	ssyncset.done $0x0  }
0xac: {  	[sflag:s17] =	ssyncadd.s32 $0xFFFFF000  }
0xad: {  	_ =	swait.ge [sflag:s29], $0x1000  }
0xae: {  	[sflag:s29] =	ssyncset.done $0x0  }
0xaf: {  	s0 =	sadd.s32 $0x1580, s0;
	[sflag:s29] =	ssyncadd.s32 $0xFFFFF000  }
0xb0: {  	[spmem:s3] =	stream.indirect.scatter.add.f32 [tilespmem:s24], [sflag:$0x5], $0x20, s0, s20, $0xb8;
	[tilespmem:$0x1A080] =	vst v63  }
0xb1: {  	_ =	swait.ge [sflag:s17], $0x1000  }
0xb2: {  	[sflag:s17] =	ssyncset.done $0x0  }
0xb3: {  	s18 =	simm.s32 $0x1200;
	[sflag:s17] =	ssyncadd.s32 $0xFFFFF000  }
0xb4: {  	[tilespmem:s21], [sflag:$0x1] =	stream.indirect.gather [spmem:s2], $0x20, s18, s20, $0xb8;
	[tilespmem:$0x1A080] =	vst v63  }
0xb5: {  	_ =	swait.ge [sflag:s25], $0x1000  }
0xb6: {  	[sflag:s25] =	ssyncset.done $0x0  }
0xb7: {  	s31 =	simm.s32 $0x2600;
	[sflag:s25] =	ssyncadd.s32 $0xFFFFF000  }
0xb8: {  	[spmem:s3] =	stream.indirect.scatter.add.f32 [tilespmem:s21], [sflag:$0x5], $0x20, s31, s20, $0xb8;
	[tilespmem:$0x1A080] =	vst v63  }
0xb9: {  	_ =	swait.ge [sflag:s17], $0x1000  }
0xba: {  	[sflag:s17] =	ssyncset.done $0x0  }
0xbb: {  	s1 =	simm.s32 $0x1280;
	[sflag:s17] =	ssyncadd.s32 $0xFFFFF000  }
0xbc: {  	[tilespmem:s22], [sflag:$0x2] =	stream.indirect.gather [spmem:s2], $0x20, s1, s20, $0xb8;
	[tilespmem:$0x1A080] =	vst v63  }
0xbd: {  	_ =	swait.ge [sflag:s26], $0x1000  }
0xbe: {  	[sflag:s26] =	ssyncset.done $0x0  }
0xbf: {  	s18 =	simm.s32 $0x2680;
	[sflag:s26] =	ssyncadd.s32 $0xFFFFF000  }
0xc0: {  	[spmem:s3] =	stream.indirect.scatter.add.f32 [tilespmem:s22], [sflag:$0x5], $0x20, s18, s20, $0xb8;
	[tilespmem:$0x1A080] =	vst v63  }
0xc1: {  	_ =	swait.ge [sflag:s17], $0x1000  }
0xc2: {  	[sflag:s17] =	ssyncset.done $0x0  }
0xc3: {  	s31 =	simm.s32 $0x1300;
	[sflag:s17] =	ssyncadd.s32 $0xFFFFF000  }
0xc4: {  	[tilespmem:s23], [sflag:$0x3] =	stream.indirect.gather [spmem:s2], $0x20, s31, s20, $0xb8;
	[tilespmem:$0x1A080] =	vst v63  }
0xc5: {  	_ =	swait.ge [sflag:s28], $0x1000  }
0xc6: {  	[sflag:s28] =	ssyncset.done $0x0  }
0xc7: {  	[sflag:s28] =	ssyncadd.s32 $0xFFFFF000  }
0xc8: {  	[spmem:s3] =	stream.indirect.scatter.add.f32 [tilespmem:s23], [sflag:$0x5], $0x20, s19, s20, $0xb8;
	[tilespmem:$0x1A080] =	vst v63  }
0xc9: {  	_ =	swait.ge [sflag:s17], $0x1000  }
0xca: {  	s0 =	simm.s32 @!p1 $0x80;
	[sflag:s17] =	ssyncset.done $0x0  }
0xcb: {  	s1 =	simm.s32 @!p1 $0x1380;
	s18 =	simm.s32 @!p1 $0x2800;
	[sflag:s17] =	ssyncadd.s32 $0xFFFFF000  }
0xcc: {  	[tilespmem:s18], [sflag:$0x1] =	stream.indirect.gather @!p1 [spmem:s2], $0x20, s1, s0, $0xb8;
	[tilespmem:$0x1A080] =	vst v63  }
0xcd: {  	s1 =	simm.s32 @!p1 $0x1  }
0xce: {  	_ =	swait.ge @!p1 [sflag:s1], $0x1000  }
0xcf: {  	[sflag:s1] =	ssyncset.done @!p1 $0x0  }
0xd0: {  	[sflag:s1] =	ssyncadd.s32 @!p1 $0xFFFFF000;
	s1 =	simm.s32 @!p1 $0x2780  }
0xd1: {  	[spmem:s3] =	stream.indirect.scatter.add.f32 @!p1 [tilespmem:s18], [sflag:$0x5], $0x20, s1, s0, $0xb8;
	[tilespmem:$0x1A080] =	vst v63  }
0xd2: {  	s0 =	simm.s32 @!p1 $0x5  }
0xd3: {  	_ =	swait.ge @!p1 [sflag:s0], $0x1000  }
0xd4: {  	[sflag:s0] =	ssyncset.done @!p1 $0x0  }
0xd5: {  	[sflag:s0] =	ssyncadd.s32 @!p1 $0xFFFFF000  }
0xd6: {  	[bflag:$0x0] =	sbarrier.arrive $0xFFFF  }
0xd7: {  	[tilespmem:s16], [sflag:$0x5] =	stream.linear.gather [spmem:s8], $0x4E20, $0x38;
	[tilespmem:$0x1A080] =	vst v63  }
0xd8: {  	s30 =	sadd.s32 $0x1, s30;
	_ =	swait.ge [sflag:s17], $0x4E20  }
0xd9: {  	p2 =	sne.s32 s30, s15;
	[sflag:s17] =	ssyncset.done $0x0  }
.Ltmp2:
0xda: {  	[sflag:s17] =	ssyncadd.s32 $0xFFFFB1E0;
	(pc) =	sbr.rel @p2 .LBB2_1-.Ltmp2, $4  }
0xdb: {  	[hbm4b:s14+s4] =	stream.linear.scatter [tilespmem:s16], [sflag:$0x5], $0x4E20, $0x38;
	[tilespmem:$0x1A080] =	vst v63  }
0xdc: {  	_ =	swait.ge [sflag:s17], $0x4E20  }
0xdd: {  	[sflag:s17] =	ssyncset.done $0x0  }
0xde: {  	[sflag:s17] =	ssyncadd.s32 $0xFFFFB1E0  }
0xdf: {  	_ =	sfence.sel $0x180000  }
0xe0: {  	[bflag:$0x0] =	sbarrier.arrive $0xFFFF  }
0xe1: {  	_ =	strace $0x9000004A  }
0xe2: {  	s0 =	stileid.u32;
	[bflag:$0x2] =	sbarrier.arrive $0xFFFF  }
0xe3: {  	p0 =	sne.s32 s0, $0x0;
	s0 =	rddreg [dreg:$0x4]  }
0xe4: {  	s0 =	sadd.s32 @!p0 $0x100000, s0  }
0xe5: {  	[sflag:s0] =	ssyncadd.tile.s32 @!p0 $0x1;
	_ =	shalt  }
.Lfunc_end2:
_tile_overlayer_lowered:
.L_overlay_start_2:
0xe6: {  	(tag) =	ssettag $0x2  }
0xe7: {  	s0 =	rddreg [dreg:$0x0];
	s2 =	stileid.u32  }
0xe8: {  	s1 =	rddreg [dreg:$0x1];
	p0 =	sne.s32 s2, $0x0  }
0xe9: {  	s3 =	rddreg [dreg:$0x2];
	[bflag:$0x3] =	sbarrier.arrive $0xFFFF;
	s2 =	simm.s32 @!p0 $0x1C05  }
0xea: {  	[timem:s3], [sflag:s2] =	dma.local @!p0 [hbm:s0], s1  }
0xeb: {  	s0 =	simm.s32 @!p0 $0x5  }
0xec: {  	_ =	swait.ge @!p0 [sflag:s0], s1  }
0xed: {  	s1 =	ssub.s32 @!p0 $0x0, s1;
	[sflag:s0] =	ssyncset.done @!p0 $0x0  }
0xee: {  	[sflag:s0] =	ssyncadd.s32 @!p0 s1  }
0xef: {  	[bflag:$0x3] =	sbarrier.arrive $0xFFFF  }
0xf0: {  	_ =	shalt  }

</sc_bundles>
